<compile_context>
chip_gen: v7x
topology: tpu7x:2x2x1
jax: 0.10.2.dev20260603
libtpu: 0.0.44.dev20260713+nightly
codegen_flags: <defaults>
</compile_context>

<pallas_src>
import functools

import jax
import jax.numpy as jnp
from jax import lax
from jax.experimental import pallas as pl
from jax.experimental.pallas import tpu as pltpu
from jax.experimental.pallas import tpu_sc as plsc

_NC = 2
_NS = 16
_L = 16
_NW = _NC * _NS

_RES = 256
_CHUNK = 8192
_UNROLL = 4


def _build_sc_call(n_points):
    pts_per_tile = n_points // _NW
    chunks = pts_per_tile // _CHUNK
    tbl_words = _RES * 3

    mesh = plsc.VectorSubcoreMesh(core_axis_name="c", subcore_axis_name="s")

    buf = pltpu.VMEM((_CHUNK,), jnp.float32)

    @functools.partial(
        pl.kernel,
        mesh=mesh,
        out_type=jax.ShapeDtypeStruct((6, n_points), jnp.float32),
        compiler_params=pltpu.CompilerParams(
            needs_layout_passes=False, use_tc_tiling_on_sc=True),
        scratch_types=[
            [buf] * 7,
            [buf] * 7,
            pltpu.VMEM((tbl_words,), jnp.float32),
            pltpu.VMEM((tbl_words,), jnp.float32),
            pltpu.VMEM((tbl_words,), jnp.float32),
            pltpu.VMEM((_L,), jnp.float32),
            pltpu.SemaphoreType.DMA,
            pltpu.SemaphoreType.DMA,
            pltpu.SemaphoreType.DMA,
            pltpu.SemaphoreType.DMA,
        ],
    )
    def sc_kernel(pts_hbm, g_hbm, l_hbm, a_hbm, out_hbm,
                  set_a, set_b, tbl, gbuf, lbuf, abuf,
                  isem_a, isem_b, osem_a, osem_b):
        wid = lax.axis_index("s") * _NC + lax.axis_index("c")
        tile_base = wid * pts_per_tile

        sets = (set_a, set_b)
        isems = (isem_a, isem_b)
        osems = (osem_a, osem_b)

        def start_in(c):
            s = c % 2
            sl = pl.ds(tile_base + c * _CHUNK, _CHUNK)
            return [pltpu.async_copy(pts_hbm.at[f, sl], sets[s][f], isems[s])
                    for f in range(4)]

        def start_out_coords(c):
            s = c % 2
            sl = pl.ds(tile_base + c * _CHUNK, _CHUNK)
            return [pltpu.async_copy(sets[s][f], out_hbm.at[f, sl], osems[s])
                    for f in range(3)]

        def start_out_colors(c):
            s = c % 2
            sl = pl.ds(tile_base + c * _CHUNK, _CHUNK)
            return [pltpu.async_copy(sets[s][f + 4], out_hbm.at[f + 3, sl],
                                     osems[s])
                    for f in range(3)]

        in_dma = [None, None]
        out_dma = [None, None]
        in_dma[0] = start_in(0)

        pltpu.sync_copy(g_hbm, gbuf)
        pltpu.sync_copy(l_hbm, lbuf)
        pltpu.sync_copy(a_hbm, abuf)
        av = abuf[...]
        bv = 1.0 - av

        def blend_body(i, _):
            sl = pl.ds(i * _L, _L)
            gi = jnp.clip(gbuf[sl], 0.0, 1.0)
            li = jnp.clip(lbuf[sl], 0.0, 1.0)
            tbl[sl] = av * gi + bv * li
            return _

        lax.fori_loop(0, tbl_words // _L, blend_body, None)

        def compute_chunk(s):
            db, rb, gb, bb = sets[s][3], sets[s][4], sets[s][5], sets[s][6]

            @plsc.parallel_loop(0, _CHUNK // _L, unroll=_UNROLL)
            def point_body(it):
                sl = pl.ds(it * _L, _L)
                ci = jnp.clip(db[sl].astype(jnp.int32), 0, _RES - 1)
                t0 = ci * 3
                rb[sl] = plsc.load_gather(tbl, [t0])
                gb[sl] = plsc.load_gather(tbl, [t0 + 1])
                bb[sl] = plsc.load_gather(tbl, [t0 + 2])

        for c in range(chunks):
            cur = c % 2
            if c + 1 < chunks:
                if c >= 1:
                    for d in out_dma[1 - cur]:
                        d.wait()
                in_dma[1 - cur] = start_in(c + 1)
            for d in in_dma[cur]:
                d.wait()
            out_dma[cur] = start_out_coords(c)
            compute_chunk(cur)
            out_dma[cur] += start_out_colors(c)

        if chunks >= 2:
            for d in out_dma[chunks % 2]:
                d.wait()
        for d in out_dma[(chunks - 1) % 2]:
            d.wait()

    return sc_kernel


def kernel(points, global_colors, local_colors, alpha):
    n = points.shape[0]
    pts_t = points.T
    g_flat = global_colors.reshape(-1)
    l_flat = local_colors.reshape(-1)
    alpha16 = jnp.broadcast_to(alpha.reshape(1), (_L,))
    out_t = _build_sc_call(n)(pts_t, g_flat, l_flat, alpha16)
    return out_t.T

# --- scband reference (transcript-rebuilt; emitter-appended) ---
"""Pipeline reference for scband-tfmapping-28716151341059 (READ-ONLY COPY).

The authoritative reference and input builder live on the scoring server;
editing this copy changes nothing except your own understanding.
"""

import jax, jax.numpy as jnp
import numpy as np

RES = 256
N = 1048576

def setup_inputs(seed: int = 0) -> dict:
    key = jax.random.key(seed)
    k1, k2, k3, k4, k5 = jax.random.split(key, 5)
    coords = jax.random.normal(k1, (N, 3), dtype=jnp.float32)
    density = jax.random.uniform(k2, (N, 1), dtype=jnp.float32, minval=0.0, maxval=255.0)
    tag = jnp.ones((N, 1), dtype=jnp.float32)  # single local TF with tag=1 (post-flash state)
    points = jnp.concatenate([coords, density, tag], axis=1)
    # Learned params: GlobalTF color table, LocalTF[1] color table, blend weight alpha_1
    global_colors = jax.random.uniform(k3, (RES, 3), dtype=jnp.float32)
    local_colors = jax.random.uniform(k4, (RES, 3), dtype=jnp.float32)
    alpha = jnp.abs(0.1 * jax.random.normal(k5, (1, 1), dtype=jnp.float32))  # positive, like local_creator's rejection loop
    return {"points": points, "global_colors": global_colors, "local_colors": local_colors, "alpha": alpha}

def reference(points, global_colors, local_colors, alpha):
    resolution = global_colors.shape[0]
    coords = points[:, :3]
    densitys = points[:, 3].astype(jnp.int32)
    color_index = jnp.clip((densitys * (resolution - 1)) // 255, 0, resolution - 1)
    # Global TF lookup; torch does .clone().detach() on colored_voxels -> stop_gradient
    colors = jnp.clip(jnp.take(global_colors, color_index, axis=0), 0.0, 1.0)
    colored_voxels = jax.lax.stop_gradient(jnp.concatenate([coords, colors], axis=1))
    # Local TF (TextureTFMapping) applied to the same points: same gather semantics with its own table
    local_cols = jnp.clip(jnp.take(local_colors, color_index, axis=0), 0.0, 1.0)
    local_colored_voxels = jnp.concatenate([coords, local_cols], axis=1)
    out = alpha * colored_voxels + (1.0 - alpha) * local_colored_voxels
    return out

if __name__ == "__main__":
    import jax
    _d = setup_inputs()
    print(jax.jit(kernel)(*tuple(_d.values())))

</pallas_src>

<mosaic_0001>
#map = affine_map<(d0, d1) -> (0, 0)>
#map1 = affine_map<(d0, d1) -> (0)>
module attributes {stable_mosaic.version = 14 : i64} {
  func.func @sc_kernel(%arg0: i32, %arg1: i32, %arg2: memref<5x1048576xf32, #tpu.memory_space<hbm>>, %arg3: memref<768xf32, #tpu.memory_space<hbm>>, %arg4: memref<768xf32, #tpu.memory_space<hbm>>, %arg5: memref<16xf32, #tpu.memory_space<hbm>>, %arg6: memref<6x1048576xf32, #tpu.memory_space<hbm>>, %arg7: memref<8192xf32, #tpu.memory_space<vmem>>, %arg8: memref<8192xf32, #tpu.memory_space<vmem>>, %arg9: memref<8192xf32, #tpu.memory_space<vmem>>, %arg10: memref<8192xf32, #tpu.memory_space<vmem>>, %arg11: memref<8192xf32, #tpu.memory_space<vmem>>, %arg12: memref<8192xf32, #tpu.memory_space<vmem>>, %arg13: memref<8192xf32, #tpu.memory_space<vmem>>, %arg14: memref<8192xf32, #tpu.memory_space<vmem>>, %arg15: memref<8192xf32, #tpu.memory_space<vmem>>, %arg16: memref<8192xf32, #tpu.memory_space<vmem>>, %arg17: memref<8192xf32, #tpu.memory_space<vmem>>, %arg18: memref<8192xf32, #tpu.memory_space<vmem>>, %arg19: memref<8192xf32, #tpu.memory_space<vmem>>, %arg20: memref<8192xf32, #tpu.memory_space<vmem>>, %arg21: memref<768xf32, #tpu.memory_space<vmem>>, %arg22: memref<768xf32, #tpu.memory_space<vmem>>, %arg23: memref<768xf32, #tpu.memory_space<vmem>>, %arg24: memref<16xf32, #tpu.memory_space<vmem>>, %arg25: memref<!tpu.dma_semaphore, #tpu.memory_space<semaphore_mem>>, %arg26: memref<!tpu.dma_semaphore, #tpu.memory_space<semaphore_mem>>, %arg27: memref<!tpu.dma_semaphore, #tpu.memory_space<semaphore_mem>>, %arg28: memref<!tpu.dma_semaphore, #tpu.memory_space<semaphore_mem>>) attributes {dimension_semantics = [#tpu.dimension_semantics<core_parallel>, #tpu.dimension_semantics<subcore_parallel>], iteration_bounds = array<i64: 2, 16>, scalar_prefetch = 0 : i64, scratch_operands = 22 : i64, tpu.core_type = #tpu.core_type<sc_vector_subcore>, window_params = [{transform_indices = #map}, {transform_indices = #map1}, {transform_indices = #map1}, {transform_indices = #map1}, {transform_indices = #map}]} {
    %mul3A = arith.constant 2 : i32
    %mul3A_0 = arith.muli %arg1, %mul3A : i32
    %add3A = arith.addi %mul3A_0, %arg0 : i32
    %mul3A_1 = arith.constant 32768 : i32
    %mul3A_2 = arith.muli %add3A, %mul3A_1 : i32
    %add3A_3 = arith.constant 0 : i32
    %add3A_4 = arith.addi %mul3A_2, %add3A_3 : i32
    %dma_start3A = arith.constant 0 : i32
    %dma_start3A_5 = tpu.memref_slice %arg2[%dma_start3A, %add3A_4] : memref<5x1048576xf32, #tpu.memory_space<hbm>> -> memref<1x8192xf32, #tpu.memory_space<hbm>>
    %dma_start3A_6 = tpu.memref_squeeze %dma_start3A_5 : memref<1x8192xf32, #tpu.memory_space<hbm>> -> memref<8192xf32, #tpu.memory_space<hbm>>
    %dma_start3A_7 = tpu.memref_slice %arg2[%dma_start3A, %add3A_4] : memref<5x1048576xf32, #tpu.memory_space<hbm>> -> memref<1x8192xf32, #tpu.memory_space<hbm>>
    %dma_start3A_8 = tpu.memref_squeeze %dma_start3A_7 : memref<1x8192xf32, #tpu.memory_space<hbm>> -> memref<8192xf32, #tpu.memory_space<hbm>>
    tpu.enqueue_dma source(%dma_start3A_8 : memref<8192xf32, #tpu.memory_space<hbm>>) target(%arg7 : memref<8192xf32, #tpu.memory_space<vmem>>) target_semaphore(%arg25 : memref<!tpu.dma_semaphore, #tpu.memory_space<semaphore_mem>>)
    %dma_start3A_9 = arith.constant 1 : i32
    %dma_start3A_10 = tpu.memref_slice %arg2[%dma_start3A_9, %add3A_4] : memref<5x1048576xf32, #tpu.memory_space<hbm>> -> memref<1x8192xf32, #tpu.memory_space<hbm>>
    %dma_start3A_11 = tpu.memref_squeeze %dma_start3A_10 : memref<1x8192xf32, #tpu.memory_space<hbm>> -> memref<8192xf32, #tpu.memory_space<hbm>>
    %dma_start3A_12 = tpu.memref_slice %arg2[%dma_start3A_9, %add3A_4] : memref<5x1048576xf32, #tpu.memory_space<hbm>> -> memref<1x8192xf32, #tpu.memory_space<hbm>>
    %dma_start3A_13 = tpu.memref_squeeze %dma_start3A_12 : memref<1x8192xf32, #tpu.memory_space<hbm>> -> memref<8192xf32, #tpu.memory_space<hbm>>
    tpu.enqueue_dma source(%dma_start3A_13 : memref<8192xf32, #tpu.memory_space<hbm>>) target(%arg8 : memref<8192xf32, #tpu.memory_space<vmem>>) target_semaphore(%arg25 : memref<!tpu.dma_semaphore, #tpu.memory_space<semaphore_mem>>)
    %dma_start3A_14 = arith.constant 2 : i32
    %dma_start3A_15 = tpu.memref_slice %arg2[%dma_start3A_14, %add3A_4] : memref<5x1048576xf32, #tpu.memory_space<hbm>> -> memref<1x8192xf32, #tpu.memory_space<hbm>>
    %dma_start3A_16 = tpu.memref_squeeze %dma_start3A_15 : memref<1x8192xf32, #tpu.memory_space<hbm>> -> memref<8192xf32, #tpu.memory_space<hbm>>
    %dma_start3A_17 = tpu.memref_slice %arg2[%dma_start3A_14, %add3A_4] : memref<5x1048576xf32, #tpu.memory_space<hbm>> -> memref<1x8192xf32, #tpu.memory_space<hbm>>
    %dma_start3A_18 = tpu.memref_squeeze %dma_start3A_17 : memref<1x8192xf32, #tpu.memory_space<hbm>> -> memref<8192xf32, #tpu.memory_space<hbm>>
    tpu.enqueue_dma source(%dma_start3A_18 : memref<8192xf32, #tpu.memory_space<hbm>>) target(%arg9 : memref<8192xf32, #tpu.memory_space<vmem>>) target_semaphore(%arg25 : memref<!tpu.dma_semaphore, #tpu.memory_space<semaphore_mem>>)
    %dma_start3A_19 = arith.constant 3 : i32
    %dma_start3A_20 = tpu.memref_slice %arg2[%dma_start3A_19, %add3A_4] : memref<5x1048576xf32, #tpu.memory_space<hbm>> -> memref<1x8192xf32, #tpu.memory_space<hbm>>
    %dma_start3A_21 = tpu.memref_squeeze %dma_start3A_20 : memref<1x8192xf32, #tpu.memory_space<hbm>> -> memref<8192xf32, #tpu.memory_space<hbm>>
    %dma_start3A_22 = tpu.memref_slice %arg2[%dma_start3A_19, %add3A_4] : memref<5x1048576xf32, #tpu.memory_space<hbm>> -> memref<1x8192xf32, #tpu.memory_space<hbm>>
    %dma_start3A_23 = tpu.memref_squeeze %dma_start3A_22 : memref<1x8192xf32, #tpu.memory_space<hbm>> -> memref<8192xf32, #tpu.memory_space<hbm>>
    tpu.enqueue_dma source(%dma_start3A_23 : memref<8192xf32, #tpu.memory_space<hbm>>) target(%arg10 : memref<8192xf32, #tpu.memory_space<vmem>>) target_semaphore(%arg25 : memref<!tpu.dma_semaphore, #tpu.memory_space<semaphore_mem>>)
    "tpu.region"() ({
      %run_scoped3A = tpu.sem_alloc : memref<!tpu.dma_semaphore, #tpu.memory_space<semaphore_mem>>
      tpu.enqueue_dma source(%arg3 : memref<768xf32, #tpu.memory_space<hbm>>) target(%arg22 : memref<768xf32, #tpu.memory_space<vmem>>) target_semaphore(%run_scoped3A : memref<!tpu.dma_semaphore, #tpu.memory_space<semaphore_mem>>)
      tpu.wait_dma2 semaphore(%run_scoped3A : memref<!tpu.dma_semaphore, #tpu.memory_space<semaphore_mem>>) src(%arg3 : memref<768xf32, #tpu.memory_space<hbm>>) dst(%arg22 : memref<768xf32, #tpu.memory_space<vmem>>)
      tpu.yield
    }) : () -> ()
    "tpu.region"() ({
      %run_scoped3A = tpu.sem_alloc : memref<!tpu.dma_semaphore, #tpu.memory_space<semaphore_mem>>
      tpu.enqueue_dma source(%arg4 : memref<768xf32, #tpu.memory_space<hbm>>) target(%arg23 : memref<768xf32, #tpu.memory_space<vmem>>) target_semaphore(%run_scoped3A : memref<!tpu.dma_semaphore, #tpu.memory_space<semaphore_mem>>)
      tpu.wait_dma2 semaphore(%run_scoped3A : memref<!tpu.dma_semaphore, #tpu.memory_space<semaphore_mem>>) src(%arg4 : memref<768xf32, #tpu.memory_space<hbm>>) dst(%arg23 : memref<768xf32, #tpu.memory_space<vmem>>)
      tpu.yield
    }) : () -> ()
    "tpu.region"() ({
      %run_scoped3A = tpu.sem_alloc : memref<!tpu.dma_semaphore, #tpu.memory_space<semaphore_mem>>
      tpu.enqueue_dma source(%arg5 : memref<16xf32, #tpu.memory_space<hbm>>) target(%arg24 : memref<16xf32, #tpu.memory_space<vmem>>) target_semaphore(%run_scoped3A : memref<!tpu.dma_semaphore, #tpu.memory_space<semaphore_mem>>)
      tpu.wait_dma2 semaphore(%run_scoped3A : memref<!tpu.dma_semaphore, #tpu.memory_space<semaphore_mem>>) src(%arg5 : memref<16xf32, #tpu.memory_space<hbm>>) dst(%arg24 : memref<16xf32, #tpu.memory_space<vmem>>)
      tpu.yield
    }) : () -> ()
    %get3A = arith.constant 0 : index
    %get3A_24 = tpu.vector_load %arg24[%get3A] {strides = array<i32>} : memref<16xf32, #tpu.memory_space<vmem>>, vector<16xf32>,
    %sub3A = arith.constant 1.000000e+00 : f32
    %sub3A_25 = vector.broadcast %sub3A : f32 to vector<16xf32>
    %sub3A_26 = arith.subf %sub3A_25, %get3A_24 : vector<16xf32>
    %scan3A = arith.constant 0 : i32
    %scan3A_27 = arith.constant 48 : i32
    %scan3A_28 = arith.addi %scan3A, %scan3A_27 : i32
    %scan3A_29 = arith.constant 1 : i32
    scf.for %scan3A_443 = %scan3A to %scan3A_28 step %scan3A_29  : i32 {
      %mul3A_444 = arith.constant 16 : i32
      %mul3A_445 = arith.muli %scan3A_443, %mul3A_444 : i32
      %get3A_446 = arith.index_cast %mul3A_445 : i32 to index
      %get3A_447 = tpu.vector_load %arg22[%get3A_446] {strides = array<i32>} : memref<768xf32, #tpu.memory_space<vmem>>, vector<16xf32>,
      %jit3A = arith.constant 0.000000e+00 : f32
      %jit3A_448 = arith.constant 1.000000e+00 : f32
      %max3A = vector.broadcast %jit3A : f32 to vector<16xf32>
      %max3A_449 = arith.maximumf %max3A, %get3A_447 : vector<16xf32>
      %min3A = vector.broadcast %jit3A_448 : f32 to vector<16xf32>
      %min3A_450 = arith.minimumf %min3A, %max3A_449 : vector<16xf32>
      %get3A_451 = arith.index_cast %mul3A_445 : i32 to index
      %get3A_452 = tpu.vector_load %arg23[%get3A_451] {strides = array<i32>} : memref<768xf32, #tpu.memory_space<vmem>>, vector<16xf32>,
      %jit3A_453 = arith.constant 0.000000e+00 : f32
      %jit3A_454 = arith.constant 1.000000e+00 : f32
      %max3A_455 = vector.broadcast %jit3A_453 : f32 to vector<16xf32>
      %max3A_456 = arith.maximumf %max3A_455, %get3A_452 : vector<16xf32>
      %min3A_457 = vector.broadcast %jit3A_454 : f32 to vector<16xf32>
      %min3A_458 = arith.minimumf %min3A_457, %max3A_456 : vector<16xf32>
      %mul3A_459 = arith.mulf %get3A_24, %min3A_450 : vector<16xf32>
      %mul3A_460 = arith.mulf %sub3A_26, %min3A_458 : vector<16xf32>
      %add3A_461 = arith.addf %mul3A_459, %mul3A_460 : vector<16xf32>
      %swap3A = arith.index_cast %mul3A_445 : i32 to index
      %swap3A_462 = tpu.vector_load %arg21[%swap3A] {strides = array<i32>} : memref<768xf32, #tpu.memory_space<vmem>>, vector<16xf32>,
      tpu.vector_store %arg21[%swap3A], %add3A_461 {strides = array<i32>} : memref<768xf32, #tpu.memory_space<vmem>>, vector<16xf32>,
    }
    %scan3A_30 = arith.constant 48 : i32
    %add3A_31 = arith.constant 8192 : i32
    %add3A_32 = arith.addi %mul3A_2, %add3A_31 : i32
    %dma_start3A_33 = arith.constant 0 : i32
    %dma_start3A_34 = tpu.memref_slice %arg2[%dma_start3A_33, %add3A_32] : memref<5x1048576xf32, #tpu.memory_space<hbm>> -> memref<1x8192xf32, #tpu.memory_space<hbm>>
    %dma_start3A_35 = tpu.memref_squeeze %dma_start3A_34 : memref<1x8192xf32, #tpu.memory_space<hbm>> -> memref<8192xf32, #tpu.memory_space<hbm>>
    %dma_start3A_36 = tpu.memref_slice %arg2[%dma_start3A_33, %add3A_32] : memref<5x1048576xf32, #tpu.memory_space<hbm>> -> memref<1x8192xf32, #tpu.memory_space<hbm>>
    %dma_start3A_37 = tpu.memref_squeeze %dma_start3A_36 : memref<1x8192xf32, #tpu.memory_space<hbm>> -> memref<8192xf32, #tpu.memory_space<hbm>>
    tpu.enqueue_dma source(%dma_start3A_37 : memref<8192xf32, #tpu.memory_space<hbm>>) target(%arg14 : memref<8192xf32, #tpu.memory_space<vmem>>) target_semaphore(%arg26 : memref<!tpu.dma_semaphore, #tpu.memory_space<semaphore_mem>>)
    %dma_start3A_38 = arith.constant 1 : i32
    %dma_start3A_39 = tpu.memref_slice %arg2[%dma_start3A_38, %add3A_32] : memref<5x1048576xf32, #tpu.memory_space<hbm>> -> memref<1x8192xf32, #tpu.memory_space<hbm>>
    %dma_start3A_40 = tpu.memref_squeeze %dma_start3A_39 : memref<1x8192xf32, #tpu.memory_space<hbm>> -> memref<8192xf32, #tpu.memory_space<hbm>>
    %dma_start3A_41 = tpu.memref_slice %arg2[%dma_start3A_38, %add3A_32] : memref<5x1048576xf32, #tpu.memory_space<hbm>> -> memref<1x8192xf32, #tpu.memory_space<hbm>>
    %dma_start3A_42 = tpu.memref_squeeze %dma_start3A_41 : memref<1x8192xf32, #tpu.memory_space<hbm>> -> memref<8192xf32, #tpu.memory_space<hbm>>
    tpu.enqueue_dma source(%dma_start3A_42 : memref<8192xf32, #tpu.memory_space<hbm>>) target(%arg15 : memref<8192xf32, #tpu.memory_space<vmem>>) target_semaphore(%arg26 : memref<!tpu.dma_semaphore, #tpu.memory_space<semaphore_mem>>)
    %dma_start3A_43 = arith.constant 2 : i32
    %dma_start3A_44 = tpu.memref_slice %arg2[%dma_start3A_43, %add3A_32] : memref<5x1048576xf32, #tpu.memory_space<hbm>> -> memref<1x8192xf32, #tpu.memory_space<hbm>>
    %dma_start3A_45 = tpu.memref_squeeze %dma_start3A_44 : memref<1x8192xf32, #tpu.memory_space<hbm>> -> memref<8192xf32, #tpu.memory_space<hbm>>
    %dma_start3A_46 = tpu.memref_slice %arg2[%dma_start3A_43, %add3A_32] : memref<5x1048576xf32, #tpu.memory_space<hbm>> -> memref<1x8192xf32, #tpu.memory_space<hbm>>
    %dma_start3A_47 = tpu.memref_squeeze %dma_start3A_46 : memref<1x8192xf32, #tpu.memory_space<hbm>> -> memref<8192xf32, #tpu.memory_space<hbm>>
    tpu.enqueue_dma source(%dma_start3A_47 : memref<8192xf32, #tpu.memory_space<hbm>>) target(%arg16 : memref<8192xf32, #tpu.memory_space<vmem>>) target_semaphore(%arg26 : memref<!tpu.dma_semaphore, #tpu.memory_space<semaphore_mem>>)
    %dma_start3A_48 = arith.constant 3 : i32
    %dma_start3A_49 = tpu.memref_slice %arg2[%dma_start3A_48, %add3A_32] : memref<5x1048576xf32, #tpu.memory_space<hbm>> -> memref<1x8192xf32, #tpu.memory_space<hbm>>
    %dma_start3A_50 = tpu.memref_squeeze %dma_start3A_49 : memref<1x8192xf32, #tpu.memory_space<hbm>> -> memref<8192xf32, #tpu.memory_space<hbm>>
    %dma_start3A_51 = tpu.memref_slice %arg2[%dma_start3A_48, %add3A_32] : memref<5x1048576xf32, #tpu.memory_space<hbm>> -> memref<1x8192xf32, #tpu.memory_space<hbm>>
    %dma_start3A_52 = tpu.memref_squeeze %dma_start3A_51 : memref<1x8192xf32, #tpu.memory_space<hbm>> -> memref<8192xf32, #tpu.memory_space<hbm>>
    tpu.enqueue_dma source(%dma_start3A_52 : memref<8192xf32, #tpu.memory_space<hbm>>) target(%arg17 : memref<8192xf32, #tpu.memory_space<vmem>>) target_semaphore(%arg26 : memref<!tpu.dma_semaphore, #tpu.memory_space<semaphore_mem>>)
    %dma_wait3A = arith.constant 0 : i32
    %dma_wait3A_53 = tpu.memref_slice %arg2[%dma_wait3A, %add3A_4] : memref<5x1048576xf32, #tpu.memory_space<hbm>> -> memref<1x8192xf32, #tpu.memory_space<hbm>>
    %dma_wait3A_54 = tpu.memref_squeeze %dma_wait3A_53 : memref<1x8192xf32, #tpu.memory_space<hbm>> -> memref<8192xf32, #tpu.memory_space<hbm>>
    %dma_wait3A_55 = tpu.memref_slice %arg2[%dma_wait3A, %add3A_4] : memref<5x1048576xf32, #tpu.memory_space<hbm>> -> memref<1x8192xf32, #tpu.memory_space<hbm>>
    %dma_wait3A_56 = tpu.memref_squeeze %dma_wait3A_55 : memref<1x8192xf32, #tpu.memory_space<hbm>> -> memref<8192xf32, #tpu.memory_space<hbm>>
    tpu.wait_dma2 semaphore(%arg25 : memref<!tpu.dma_semaphore, #tpu.memory_space<semaphore_mem>>) src(%dma_wait3A_56 : memref<8192xf32, #tpu.memory_space<hbm>>) dst(%arg7 : memref<8192xf32, #tpu.memory_space<vmem>>)
    %dma_wait3A_57 = arith.constant 1 : i32
    %dma_wait3A_58 = tpu.memref_slice %arg2[%dma_wait3A_57, %add3A_4] : memref<5x1048576xf32, #tpu.memory_space<hbm>> -> memref<1x8192xf32, #tpu.memory_space<hbm>>
    %dma_wait3A_59 = tpu.memref_squeeze %dma_wait3A_58 : memref<1x8192xf32, #tpu.memory_space<hbm>> -> memref<8192xf32, #tpu.memory_space<hbm>>
    %dma_wait3A_60 = tpu.memref_slice %arg2[%dma_wait3A_57, %add3A_4] : memref<5x1048576xf32, #tpu.memory_space<hbm>> -> memref<1x8192xf32, #tpu.memory_space<hbm>>
    %dma_wait3A_61 = tpu.memref_squeeze %dma_wait3A_60 : memref<1x8192xf32, #tpu.memory_space<hbm>> -> memref<8192xf32, #tpu.memory_space<hbm>>
    tpu.wait_dma2 semaphore(%arg25 : memref<!tpu.dma_semaphore, #tpu.memory_space<semaphore_mem>>) src(%dma_wait3A_61 : memref<8192xf32, #tpu.memory_space<hbm>>) dst(%arg8 : memref<8192xf32, #tpu.memory_space<vmem>>)
    %dma_wait3A_62 = arith.constant 2 : i32
    %dma_wait3A_63 = tpu.memref_slice %arg2[%dma_wait3A_62, %add3A_4] : memref<5x1048576xf32, #tpu.memory_space<hbm>> -> memref<1x8192xf32, #tpu.memory_space<hbm>>
    %dma_wait3A_64 = tpu.memref_squeeze %dma_wait3A_63 : memref<1x8192xf32, #tpu.memory_space<hbm>> -> memref<8192xf32, #tpu.memory_space<hbm>>
    %dma_wait3A_65 = tpu.memref_slice %arg2[%dma_wait3A_62, %add3A_4] : memref<5x1048576xf32, #tpu.memory_space<hbm>> -> memref<1x8192xf32, #tpu.memory_space<hbm>>
    %dma_wait3A_66 = tpu.memref_squeeze %dma_wait3A_65 : memref<1x8192xf32, #tpu.memory_space<hbm>> -> memref<8192xf32, #tpu.memory_space<hbm>>
    tpu.wait_dma2 semaphore(%arg25 : memref<!tpu.dma_semaphore, #tpu.memory_space<semaphore_mem>>) src(%dma_wait3A_66 : memref<8192xf32, #tpu.memory_space<hbm>>) dst(%arg9 : memref<8192xf32, #tpu.memory_space<vmem>>)
    %dma_wait3A_67 = arith.constant 3 : i32
    %dma_wait3A_68 = tpu.memref_slice %arg2[%dma_wait3A_67, %add3A_4] : memref<5x1048576xf32, #tpu.memory_space<hbm>> -> memref<1x8192xf32, #tpu.memory_space<hbm>>
    %dma_wait3A_69 = tpu.memref_squeeze %dma_wait3A_68 : memref<1x8192xf32, #tpu.memory_space<hbm>> -> memref<8192xf32, #tpu.memory_space<hbm>>
    %dma_wait3A_70 = tpu.memref_slice %arg2[%dma_wait3A_67, %add3A_4] : memref<5x1048576xf32, #tpu.memory_space<hbm>> -> memref<1x8192xf32, #tpu.memory_space<hbm>>
    %dma_wait3A_71 = tpu.memref_squeeze %dma_wait3A_70 : memref<1x8192xf32, #tpu.memory_space<hbm>> -> memref<8192xf32, #tpu.memory_space<hbm>>
    tpu.wait_dma2 semaphore(%arg25 : memref<!tpu.dma_semaphore, #tpu.memory_space<semaphore_mem>>) src(%dma_wait3A_71 : memref<8192xf32, #tpu.memory_space<hbm>>) dst(%arg10 : memref<8192xf32, #tpu.memory_space<vmem>>)
    %add3A_72 = arith.constant 0 : i32
    %add3A_73 = arith.addi %mul3A_2, %add3A_72 : i32
    %dma_start3A_74 = arith.constant 0 : i32
    %dma_start3A_75 = tpu.memref_slice %arg6[%dma_start3A_74, %add3A_73] : memref<6x1048576xf32, #tpu.memory_space<hbm>> -> memref<1x8192xf32, #tpu.memory_space<hbm>>
    %dma_start3A_76 = tpu.memref_squeeze %dma_start3A_75 : memref<1x8192xf32, #tpu.memory_space<hbm>> -> memref<8192xf32, #tpu.memory_space<hbm>>
    %dma_start3A_77 = tpu.memref_slice %arg6[%dma_start3A_74, %add3A_73] : memref<6x1048576xf32, #tpu.memory_space<hbm>> -> memref<1x8192xf32, #tpu.memory_space<hbm>>
    %dma_start3A_78 = tpu.memref_squeeze %dma_start3A_77 : memref<1x8192xf32, #tpu.memory_space<hbm>> -> memref<8192xf32, #tpu.memory_space<hbm>>
    tpu.enqueue_dma source(%arg7 : memref<8192xf32, #tpu.memory_space<vmem>>) target(%dma_start3A_78 : memref<8192xf32, #tpu.memory_space<hbm>>) target_semaphore(%arg27 : memref<!tpu.dma_semaphore, #tpu.memory_space<semaphore_mem>>)
    %dma_start3A_79 = arith.constant 1 : i32
    %dma_start3A_80 = tpu.memref_slice %arg6[%dma_start3A_79, %add3A_73] : memref<6x1048576xf32, #tpu.memory_space<hbm>> -> memref<1x8192xf32, #tpu.memory_space<hbm>>
    %dma_start3A_81 = tpu.memref_squeeze %dma_start3A_80 : memref<1x8192xf32, #tpu.memory_space<hbm>> -> memref<8192xf32, #tpu.memory_space<hbm>>
    %dma_start3A_82 = tpu.memref_slice %arg6[%dma_start3A_79, %add3A_73] : memref<6x1048576xf32, #tpu.memory_space<hbm>> -> memref<1x8192xf32, #tpu.memory_space<hbm>>
    %dma_start3A_83 = tpu.memref_squeeze %dma_start3A_82 : memref<1x8192xf32, #tpu.memory_space<hbm>> -> memref<8192xf32, #tpu.memory_space<hbm>>
    tpu.enqueue_dma source(%arg8 : memref<8192xf32, #tpu.memory_space<vmem>>) target(%dma_start3A_83 : memref<8192xf32, #tpu.memory_space<hbm>>) target_semaphore(%arg27 : memref<!tpu.dma_semaphore, #tpu.memory_space<semaphore_mem>>)
    %dma_start3A_84 = arith.constant 2 : i32
    %dma_start3A_85 = tpu.memref_slice %arg6[%dma_start3A_84, %add3A_73] : memref<6x1048576xf32, #tpu.memory_space<hbm>> -> memref<1x8192xf32, #tpu.memory_space<hbm>>
    %dma_start3A_86 = tpu.memref_squeeze %dma_start3A_85 : memref<1x8192xf32, #tpu.memory_space<hbm>> -> memref<8192xf32, #tpu.memory_space<hbm>>
    %dma_start3A_87 = tpu.memref_slice %arg6[%dma_start3A_84, %add3A_73] : memref<6x1048576xf32, #tpu.memory_space<hbm>> -> memref<1x8192xf32, #tpu.memory_space<hbm>>
    %dma_start3A_88 = tpu.memref_squeeze %dma_start3A_87 : memref<1x8192xf32, #tpu.memory_space<hbm>> -> memref<8192xf32, #tpu.memory_space<hbm>>
    tpu.enqueue_dma source(%arg9 : memref<8192xf32, #tpu.memory_space<vmem>>) target(%dma_start3A_88 : memref<8192xf32, #tpu.memory_space<hbm>>) target_semaphore(%arg27 : memref<!tpu.dma_semaphore, #tpu.memory_space<semaphore_mem>>)
    %parallel_loop3A = arith.constant 0 : i32
    %parallel_loop3A_89 = arith.constant 512 : i32
    %parallel_loop3A_90 = arith.constant 1 : i32
    scf.for %parallel_loop3A_443 = %parallel_loop3A to %parallel_loop3A_89 step %parallel_loop3A_90  : i32 {
      %parallel_loop3A_444 = arith.constant 16 : i32
      %parallel_loop3A_445 = arith.muli %parallel_loop3A_443, %parallel_loop3A_444 : i32
      %parallel_loop3A_446 = arith.index_cast %parallel_loop3A_445 : i32 to index
      %parallel_loop3A_447 = tpu.vector_load %arg10[%parallel_loop3A_446] {strides = array<i32>} : memref<8192xf32, #tpu.memory_space<vmem>>, vector<16xf32>,
      %parallel_loop3A_448 = arith.fptosi %parallel_loop3A_447 : vector<16xf32> to vector<16xi32>
      %parallel_loop3A_449 = arith.constant 0 : i32
      %parallel_loop3A_450 = arith.constant 255 : i32
      %parallel_loop3A_451 = vector.broadcast %parallel_loop3A_449 : i32 to vector<16xi32>
      %parallel_loop3A_452 = arith.maxsi %parallel_loop3A_451, %parallel_loop3A_448 : vector<16xi32>
      %parallel_loop3A_453 = vector.broadcast %parallel_loop3A_450 : i32 to vector<16xi32>
      %parallel_loop3A_454 = arith.minsi %parallel_loop3A_453, %parallel_loop3A_452 : vector<16xi32>
      %parallel_loop3A_455 = arith.constant 3 : i32
      %parallel_loop3A_456 = vector.broadcast %parallel_loop3A_455 : i32 to vector<16xi32>
      %parallel_loop3A_457 = arith.muli %parallel_loop3A_454, %parallel_loop3A_456 : vector<16xi32>
      %parallel_loop3A_458 = tpu.vector_load_idx %arg21[%parallel_loop3A_457] : memref<768xf32, #tpu.memory_space<vmem>>[vector<16xi32>], vector<16xf32>,
      %parallel_loop3A_459 = arith.index_cast %parallel_loop3A_445 : i32 to index
      %parallel_loop3A_460 = tpu.vector_load %arg11[%parallel_loop3A_459] {strides = array<i32>} : memref<8192xf32, #tpu.memory_space<vmem>>, vector<16xf32>,
      tpu.vector_store %arg11[%parallel_loop3A_459], %parallel_loop3A_458 {strides = array<i32>} : memref<8192xf32, #tpu.memory_space<vmem>>, vector<16xf32>,
      %parallel_loop3A_461 = arith.constant 1 : i32
      %parallel_loop3A_462 = vector.broadcast %parallel_loop3A_461 : i32 to vector<16xi32>
      %parallel_loop3A_463 = arith.addi %parallel_loop3A_457, %parallel_loop3A_462 : vector<16xi32>
      %parallel_loop3A_464 = tpu.vector_load_idx %arg21[%parallel_loop3A_463] : memref<768xf32, #tpu.memory_space<vmem>>[vector<16xi32>], vector<16xf32>,
      %parallel_loop3A_465 = arith.index_cast %parallel_loop3A_445 : i32 to index
      %parallel_loop3A_466 = tpu.vector_load %arg12[%parallel_loop3A_465] {strides = array<i32>} : memref<8192xf32, #tpu.memory_space<vmem>>, vector<16xf32>,
      tpu.vector_store %arg12[%parallel_loop3A_465], %parallel_loop3A_464 {strides = array<i32>} : memref<8192xf32, #tpu.memory_space<vmem>>, vector<16xf32>,
      %parallel_loop3A_467 = arith.constant 2 : i32
      %parallel_loop3A_468 = vector.broadcast %parallel_loop3A_467 : i32 to vector<16xi32>
      %parallel_loop3A_469 = arith.addi %parallel_loop3A_457, %parallel_loop3A_468 : vector<16xi32>
      %parallel_loop3A_470 = tpu.vector_load_idx %arg21[%parallel_loop3A_469] : memref<768xf32, #tpu.memory_space<vmem>>[vector<16xi32>], vector<16xf32>,
      %parallel_loop3A_471 = arith.index_cast %parallel_loop3A_445 : i32 to index
      %parallel_loop3A_472 = tpu.vector_load %arg13[%parallel_loop3A_471] {strides = array<i32>} : memref<8192xf32, #tpu.memory_space<vmem>>, vector<16xf32>,
      tpu.vector_store %arg13[%parallel_loop3A_471], %parallel_loop3A_470 {strides = array<i32>} : memref<8192xf32, #tpu.memory_space<vmem>>, vector<16xf32>,
    } {sc.loop_unroll_factor = 4 : i64, sc.parallel_access}
    %add3A_91 = arith.constant 0 : i32
    %add3A_92 = arith.addi %mul3A_2, %add3A_91 : i32
    %dma_start3A_93 = arith.constant 3 : i32
    %dma_start3A_94 = tpu.memref_slice %arg6[%dma_start3A_93, %add3A_92] : memref<6x1048576xf32, #tpu.memory_space<hbm>> -> memref<1x8192xf32, #tpu.memory_space<hbm>>
    %dma_start3A_95 = tpu.memref_squeeze %dma_start3A_94 : memref<1x8192xf32, #tpu.memory_space<hbm>> -> memref<8192xf32, #tpu.memory_space<hbm>>
    %dma_start3A_96 = tpu.memref_slice %arg6[%dma_start3A_93, %add3A_92] : memref<6x1048576xf32, #tpu.memory_space<hbm>> -> memref<1x8192xf32, #tpu.memory_space<hbm>>
    %dma_start3A_97 = tpu.memref_squeeze %dma_start3A_96 : memref<1x8192xf32, #tpu.memory_space<hbm>> -> memref<8192xf32, #tpu.memory_space<hbm>>
    tpu.enqueue_dma source(%arg11 : memref<8192xf32, #tpu.memory_space<vmem>>) target(%dma_start3A_97 : memref<8192xf32, #tpu.memory_space<hbm>>) target_semaphore(%arg27 : memref<!tpu.dma_semaphore, #tpu.memory_space<semaphore_mem>>)
    %dma_start3A_98 = arith.constant 4 : i32
    %dma_start3A_99 = tpu.memref_slice %arg6[%dma_start3A_98, %add3A_92] : memref<6x1048576xf32, #tpu.memory_space<hbm>> -> memref<1x8192xf32, #tpu.memory_space<hbm>>
    %dma_start3A_100 = tpu.memref_squeeze %dma_start3A_99 : memref<1x8192xf32, #tpu.memory_space<hbm>> -> memref<8192xf32, #tpu.memory_space<hbm>>
    %dma_start3A_101 = tpu.memref_slice %arg6[%dma_start3A_98, %add3A_92] : memref<6x1048576xf32, #tpu.memory_space<hbm>> -> memref<1x8192xf32, #tpu.memory_space<hbm>>
    %dma_start3A_102 = tpu.memref_squeeze %dma_start3A_101 : memref<1x8192xf32, #tpu.memory_space<hbm>> -> memref<8192xf32, #tpu.memory_space<hbm>>
    tpu.enqueue_dma source(%arg12 : memref<8192xf32, #tpu.memory_space<vmem>>) target(%dma_start3A_102 : memref<8192xf32, #tpu.memory_space<hbm>>) target_semaphore(%arg27 : memref<!tpu.dma_semaphore, #tpu.memory_space<semaphore_mem>>)
    %dma_start3A_103 = arith.constant 5 : i32
    %dma_start3A_104 = tpu.memref_slice %arg6[%dma_start3A_103, %add3A_92] : memref<6x1048576xf32, #tpu.memory_space<hbm>> -> memref<1x8192xf32, #tpu.memory_space<hbm>>
    %dma_start3A_105 = tpu.memref_squeeze %dma_start3A_104 : memref<1x8192xf32, #tpu.memory_space<hbm>> -> memref<8192xf32, #tpu.memory_space<hbm>>
    %dma_start3A_106 = tpu.memref_slice %arg6[%dma_start3A_103, %add3A_92] : memref<6x1048576xf32, #tpu.memory_space<hbm>> -> memref<1x8192xf32, #tpu.memory_space<hbm>>
    %dma_start3A_107 = tpu.memref_squeeze %dma_start3A_106 : memref<1x8192xf32, #tpu.memory_space<hbm>> -> memref<8192xf32, #tpu.memory_space<hbm>>
    tpu.enqueue_dma source(%arg13 : memref<8192xf32, #tpu.memory_space<vmem>>) target(%dma_start3A_107 : memref<8192xf32, #tpu.memory_space<hbm>>) target_semaphore(%arg27 : memref<!tpu.dma_semaphore, #tpu.memory_space<semaphore_mem>>)
    %dma_wait3A_108 = arith.constant 0 : i32
    %dma_wait3A_109 = tpu.memref_slice %arg6[%dma_wait3A_108, %add3A_73] : memref<6x1048576xf32, #tpu.memory_space<hbm>> -> memref<1x8192xf32, #tpu.memory_space<hbm>>
    %dma_wait3A_110 = tpu.memref_squeeze %dma_wait3A_109 : memref<1x8192xf32, #tpu.memory_space<hbm>> -> memref<8192xf32, #tpu.memory_space<hbm>>
    %dma_wait3A_111 = tpu.memref_slice %arg6[%dma_wait3A_108, %add3A_73] : memref<6x1048576xf32, #tpu.memory_space<hbm>> -> memref<1x8192xf32, #tpu.memory_space<hbm>>
    %dma_wait3A_112 = tpu.memref_squeeze %dma_wait3A_111 : memref<1x8192xf32, #tpu.memory_space<hbm>> -> memref<8192xf32, #tpu.memory_space<hbm>>
    tpu.wait_dma2 semaphore(%arg27 : memref<!tpu.dma_semaphore, #tpu.memory_space<semaphore_mem>>) src(%arg7 : memref<8192xf32, #tpu.memory_space<vmem>>) dst(%dma_wait3A_112 : memref<8192xf32, #tpu.memory_space<hbm>>)
    %dma_wait3A_113 = arith.constant 1 : i32
    %dma_wait3A_114 = tpu.memref_slice %arg6[%dma_wait3A_113, %add3A_73] : memref<6x1048576xf32, #tpu.memory_space<hbm>> -> memref<1x8192xf32, #tpu.memory_space<hbm>>
    %dma_wait3A_115 = tpu.memref_squeeze %dma_wait3A_114 : memref<1x8192xf32, #tpu.memory_space<hbm>> -> memref<8192xf32, #tpu.memory_space<hbm>>
    %dma_wait3A_116 = tpu.memref_slice %arg6[%dma_wait3A_113, %add3A_73] : memref<6x1048576xf32, #tpu.memory_space<hbm>> -> memref<1x8192xf32, #tpu.memory_space<hbm>>
    %dma_wait3A_117 = tpu.memref_squeeze %dma_wait3A_116 : memref<1x8192xf32, #tpu.memory_space<hbm>> -> memref<8192xf32, #tpu.memory_space<hbm>>
    tpu.wait_dma2 semaphore(%arg27 : memref<!tpu.dma_semaphore, #tpu.memory_space<semaphore_mem>>) src(%arg8 : memref<8192xf32, #tpu.memory_space<vmem>>) dst(%dma_wait3A_117 : memref<8192xf32, #tpu.memory_space<hbm>>)
    %dma_wait3A_118 = arith.constant 2 : i32
    %dma_wait3A_119 = tpu.memref_slice %arg6[%dma_wait3A_118, %add3A_73] : memref<6x1048576xf32, #tpu.memory_space<hbm>> -> memref<1x8192xf32, #tpu.memory_space<hbm>>
    %dma_wait3A_120 = tpu.memref_squeeze %dma_wait3A_119 : memref<1x8192xf32, #tpu.memory_space<hbm>> -> memref<8192xf32, #tpu.memory_space<hbm>>
    %dma_wait3A_121 = tpu.memref_slice %arg6[%dma_wait3A_118, %add3A_73] : memref<6x1048576xf32, #tpu.memory_space<hbm>> -> memref<1x8192xf32, #tpu.memory_space<hbm>>
    %dma_wait3A_122 = tpu.memref_squeeze %dma_wait3A_121 : memref<1x8192xf32, #tpu.memory_space<hbm>> -> memref<8192xf32, #tpu.memory_space<hbm>>
    tpu.wait_dma2 semaphore(%arg27 : memref<!tpu.dma_semaphore, #tpu.memory_space<semaphore_mem>>) src(%arg9 : memref<8192xf32, #tpu.memory_space<vmem>>) dst(%dma_wait3A_122 : memref<8192xf32, #tpu.memory_space<hbm>>)
    %dma_wait3A_123 = arith.constant 3 : i32
    %dma_wait3A_124 = tpu.memref_slice %arg6[%dma_wait3A_123, %add3A_92] : memref<6x1048576xf32, #tpu.memory_space<hbm>> -> memref<1x8192xf32, #tpu.memory_space<hbm>>
    %dma_wait3A_125 = tpu.memref_squeeze %dma_wait3A_124 : memref<1x8192xf32, #tpu.memory_space<hbm>> -> memref<8192xf32, #tpu.memory_space<hbm>>
    %dma_wait3A_126 = tpu.memref_slice %arg6[%dma_wait3A_123, %add3A_92] : memref<6x1048576xf32, #tpu.memory_space<hbm>> -> memref<1x8192xf32, #tpu.memory_space<hbm>>
    %dma_wait3A_127 = tpu.memref_squeeze %dma_wait3A_126 : memref<1x8192xf32, #tpu.memory_space<hbm>> -> memref<8192xf32, #tpu.memory_space<hbm>>
    tpu.wait_dma2 semaphore(%arg27 : memref<!tpu.dma_semaphore, #tpu.memory_space<semaphore_mem>>) src(%arg11 : memref<8192xf32, #tpu.memory_space<vmem>>) dst(%dma_wait3A_127 : memref<8192xf32, #tpu.memory_space<hbm>>)
    %dma_wait3A_128 = arith.constant 4 : i32
    %dma_wait3A_129 = tpu.memref_slice %arg6[%dma_wait3A_128, %add3A_92] : memref<6x1048576xf32, #tpu.memory_space<hbm>> -> memref<1x8192xf32, #tpu.memory_space<hbm>>
    %dma_wait3A_130 = tpu.memref_squeeze %dma_wait3A_129 : memref<1x8192xf32, #tpu.memory_space<hbm>> -> memref<8192xf32, #tpu.memory_space<hbm>>
    %dma_wait3A_131 = tpu.memref_slice %arg6[%dma_wait3A_128, %add3A_92] : memref<6x1048576xf32, #tpu.memory_space<hbm>> -> memref<1x8192xf32, #tpu.memory_space<hbm>>
    %dma_wait3A_132 = tpu.memref_squeeze %dma_wait3A_131 : memref<1x8192xf32, #tpu.memory_space<hbm>> -> memref<8192xf32, #tpu.memory_space<hbm>>
    tpu.wait_dma2 semaphore(%arg27 : memref<!tpu.dma_semaphore, #tpu.memory_space<semaphore_mem>>) src(%arg12 : memref<8192xf32, #tpu.memory_space<vmem>>) dst(%dma_wait3A_132 : memref<8192xf32, #tpu.memory_space<hbm>>)
    %dma_wait3A_133 = arith.constant 5 : i32
    %dma_wait3A_134 = tpu.memref_slice %arg6[%dma_wait3A_133, %add3A_92] : memref<6x1048576xf32, #tpu.memory_space<hbm>> -> memref<1x8192xf32, #tpu.memory_space<hbm>>
    %dma_wait3A_135 = tpu.memref_squeeze %dma_wait3A_134 : memref<1x8192xf32, #tpu.memory_space<hbm>> -> memref<8192xf32, #tpu.memory_space<hbm>>
    %dma_wait3A_136 = tpu.memref_slice %arg6[%dma_wait3A_133, %add3A_92] : memref<6x1048576xf32, #tpu.memory_space<hbm>> -> memref<1x8192xf32, #tpu.memory_space<hbm>>
    %dma_wait3A_137 = tpu.memref_squeeze %dma_wait3A_136 : memref<1x8192xf32, #tpu.memory_space<hbm>> -> memref<8192xf32, #tpu.memory_space<hbm>>
    tpu.wait_dma2 semaphore(%arg27 : memref<!tpu.dma_semaphore, #tpu.memory_space<semaphore_mem>>) src(%arg13 : memref<8192xf32, #tpu.memory_space<vmem>>) dst(%dma_wait3A_137 : memref<8192xf32, #tpu.memory_space<hbm>>)
    %add3A_138 = arith.constant 16384 : i32
    %add3A_139 = arith.addi %mul3A_2, %add3A_138 : i32
    %dma_start3A_140 = arith.constant 0 : i32
    %dma_start3A_141 = tpu.memref_slice %arg2[%dma_start3A_140, %add3A_139] : memref<5x1048576xf32, #tpu.memory_space<hbm>> -> memref<1x8192xf32, #tpu.memory_space<hbm>>
    %dma_start3A_142 = tpu.memref_squeeze %dma_start3A_141 : memref<1x8192xf32, #tpu.memory_space<hbm>> -> memref<8192xf32, #tpu.memory_space<hbm>>
    %dma_start3A_143 = tpu.memref_slice %arg2[%dma_start3A_140, %add3A_139] : memref<5x1048576xf32, #tpu.memory_space<hbm>> -> memref<1x8192xf32, #tpu.memory_space<hbm>>
    %dma_start3A_144 = tpu.memref_squeeze %dma_start3A_143 : memref<1x8192xf32, #tpu.memory_space<hbm>> -> memref<8192xf32, #tpu.memory_space<hbm>>
    tpu.enqueue_dma source(%dma_start3A_144 : memref<8192xf32, #tpu.memory_space<hbm>>) target(%arg7 : memref<8192xf32, #tpu.memory_space<vmem>>) target_semaphore(%arg25 : memref<!tpu.dma_semaphore, #tpu.memory_space<semaphore_mem>>)
    %dma_start3A_145 = arith.constant 1 : i32
    %dma_start3A_146 = tpu.memref_slice %arg2[%dma_start3A_145, %add3A_139] : memref<5x1048576xf32, #tpu.memory_space<hbm>> -> memref<1x8192xf32, #tpu.memory_space<hbm>>
    %dma_start3A_147 = tpu.memref_squeeze %dma_start3A_146 : memref<1x8192xf32, #tpu.memory_space<hbm>> -> memref<8192xf32, #tpu.memory_space<hbm>>
    %dma_start3A_148 = tpu.memref_slice %arg2[%dma_start3A_145, %add3A_139] : memref<5x1048576xf32, #tpu.memory_space<hbm>> -> memref<1x8192xf32, #tpu.memory_space<hbm>>
    %dma_start3A_149 = tpu.memref_squeeze %dma_start3A_148 : memref<1x8192xf32, #tpu.memory_space<hbm>> -> memref<8192xf32, #tpu.memory_space<hbm>>
    tpu.enqueue_dma source(%dma_start3A_149 : memref<8192xf32, #tpu.memory_space<hbm>>) target(%arg8 : memref<8192xf32, #tpu.memory_space<vmem>>) target_semaphore(%arg25 : memref<!tpu.dma_semaphore, #tpu.memory_space<semaphore_mem>>)
    %dma_start3A_150 = arith.constant 2 : i32
    %dma_start3A_151 = tpu.memref_slice %arg2[%dma_start3A_150, %add3A_139] : memref<5x1048576xf32, #tpu.memory_space<hbm>> -> memref<1x8192xf32, #tpu.memory_space<hbm>>
    %dma_start3A_152 = tpu.memref_squeeze %dma_start3A_151 : memref<1x8192xf32, #tpu.memory_space<hbm>> -> memref<8192xf32, #tpu.memory_space<hbm>>
    %dma_start3A_153 = tpu.memref_slice %arg2[%dma_start3A_150, %add3A_139] : memref<5x1048576xf32, #tpu.memory_space<hbm>> -> memref<1x8192xf32, #tpu.memory_space<hbm>>
    %dma_start3A_154 = tpu.memref_squeeze %dma_start3A_153 : memref<1x8192xf32, #tpu.memory_space<hbm>> -> memref<8192xf32, #tpu.memory_space<hbm>>
    tpu.enqueue_dma source(%dma_start3A_154 : memref<8192xf32, #tpu.memory_space<hbm>>) target(%arg9 : memref<8192xf32, #tpu.memory_space<vmem>>) target_semaphore(%arg25 : memref<!tpu.dma_semaphore, #tpu.memory_space<semaphore_mem>>)
    %dma_start3A_155 = arith.constant 3 : i32
    %dma_start3A_156 = tpu.memref_slice %arg2[%dma_start3A_155, %add3A_139] : memref<5x1048576xf32, #tpu.memory_space<hbm>> -> memref<1x8192xf32, #tpu.memory_space<hbm>>
    %dma_start3A_157 = tpu.memref_squeeze %dma_start3A_156 : memref<1x8192xf32, #tpu.memory_space<hbm>> -> memref<8192xf32, #tpu.memory_space<hbm>>
    %dma_start3A_158 = tpu.memref_slice %arg2[%dma_start3A_155, %add3A_139] : memref<5x1048576xf32, #tpu.memory_space<hbm>> -> memref<1x8192xf32, #tpu.memory_space<hbm>>
    %dma_start3A_159 = tpu.memref_squeeze %dma_start3A_158 : memref<1x8192xf32, #tpu.memory_space<hbm>> -> memref<8192xf32, #tpu.memory_space<hbm>>
    tpu.enqueue_dma source(%dma_start3A_159 : memref<8192xf32, #tpu.memory_space<hbm>>) target(%arg10 : memref<8192xf32, #tpu.memory_space<vmem>>) target_semaphore(%arg25 : memref<!tpu.dma_semaphore, #tpu.memory_space<semaphore_mem>>)
    %dma_wait3A_160 = arith.constant 0 : i32
    %dma_wait3A_161 = tpu.memref_slice %arg2[%dma_wait3A_160, %add3A_32] : memref<5x1048576xf32, #tpu.memory_space<hbm>> -> memref<1x8192xf32, #tpu.memory_space<hbm>>
    %dma_wait3A_162 = tpu.memref_squeeze %dma_wait3A_161 : memref<1x8192xf32, #tpu.memory_space<hbm>> -> memref<8192xf32, #tpu.memory_space<hbm>>
    %dma_wait3A_163 = tpu.memref_slice %arg2[%dma_wait3A_160, %add3A_32] : memref<5x1048576xf32, #tpu.memory_space<hbm>> -> memref<1x8192xf32, #tpu.memory_space<hbm>>
    %dma_wait3A_164 = tpu.memref_squeeze %dma_wait3A_163 : memref<1x8192xf32, #tpu.memory_space<hbm>> -> memref<8192xf32, #tpu.memory_space<hbm>>
    tpu.wait_dma2 semaphore(%arg26 : memref<!tpu.dma_semaphore, #tpu.memory_space<semaphore_mem>>) src(%dma_wait3A_164 : memref<8192xf32, #tpu.memory_space<hbm>>) dst(%arg14 : memref<8192xf32, #tpu.memory_space<vmem>>)
    %dma_wait3A_165 = arith.constant 1 : i32
    %dma_wait3A_166 = tpu.memref_slice %arg2[%dma_wait3A_165, %add3A_32] : memref<5x1048576xf32, #tpu.memory_space<hbm>> -> memref<1x8192xf32, #tpu.memory_space<hbm>>
    %dma_wait3A_167 = tpu.memref_squeeze %dma_wait3A_166 : memref<1x8192xf32, #tpu.memory_space<hbm>> -> memref<8192xf32, #tpu.memory_space<hbm>>
    %dma_wait3A_168 = tpu.memref_slice %arg2[%dma_wait3A_165, %add3A_32] : memref<5x1048576xf32, #tpu.memory_space<hbm>> -> memref<1x8192xf32, #tpu.memory_space<hbm>>
    %dma_wait3A_169 = tpu.memref_squeeze %dma_wait3A_168 : memref<1x8192xf32, #tpu.memory_space<hbm>> -> memref<8192xf32, #tpu.memory_space<hbm>>
    tpu.wait_dma2 semaphore(%arg26 : memref<!tpu.dma_semaphore, #tpu.memory_space<semaphore_mem>>) src(%dma_wait3A_169 : memref<8192xf32, #tpu.memory_space<hbm>>) dst(%arg15 : memref<8192xf32, #tpu.memory_space<vmem>>)
    %dma_wait3A_170 = arith.constant 2 : i32
    %dma_wait3A_171 = tpu.memref_slice %arg2[%dma_wait3A_170, %add3A_32] : memref<5x1048576xf32, #tpu.memory_space<hbm>> -> memref<1x8192xf32, #tpu.memory_space<hbm>>
    %dma_wait3A_172 = tpu.memref_squeeze %dma_wait3A_171 : memref<1x8192xf32, #tpu.memory_space<hbm>> -> memref<8192xf32, #tpu.memory_space<hbm>>
    %dma_wait3A_173 = tpu.memref_slice %arg2[%dma_wait3A_170, %add3A_32] : memref<5x1048576xf32, #tpu.memory_space<hbm>> -> memref<1x8192xf32, #tpu.memory_space<hbm>>
    %dma_wait3A_174 = tpu.memref_squeeze %dma_wait3A_173 : memref<1x8192xf32, #tpu.memory_space<hbm>> -> memref<8192xf32, #tpu.memory_space<hbm>>
    tpu.wait_dma2 semaphore(%arg26 : memref<!tpu.dma_semaphore, #tpu.memory_space<semaphore_mem>>) src(%dma_wait3A_174 : memref<8192xf32, #tpu.memory_space<hbm>>) dst(%arg16 : memref<8192xf32, #tpu.memory_space<vmem>>)
    %dma_wait3A_175 = arith.constant 3 : i32
    %dma_wait3A_176 = tpu.memref_slice %arg2[%dma_wait3A_175, %add3A_32] : memref<5x1048576xf32, #tpu.memory_space<hbm>> -> memref<1x8192xf32, #tpu.memory_space<hbm>>
    %dma_wait3A_177 = tpu.memref_squeeze %dma_wait3A_176 : memref<1x8192xf32, #tpu.memory_space<hbm>> -> memref<8192xf32, #tpu.memory_space<hbm>>
    %dma_wait3A_178 = tpu.memref_slice %arg2[%dma_wait3A_175, %add3A_32] : memref<5x1048576xf32, #tpu.memory_space<hbm>> -> memref<1x8192xf32, #tpu.memory_space<hbm>>
    %dma_wait3A_179 = tpu.memref_squeeze %dma_wait3A_178 : memref<1x8192xf32, #tpu.memory_space<hbm>> -> memref<8192xf32, #tpu.memory_space<hbm>>
    tpu.wait_dma2 semaphore(%arg26 : memref<!tpu.dma_semaphore, #tpu.memory_space<semaphore_mem>>) src(%dma_wait3A_179 : memref<8192xf32, #tpu.memory_space<hbm>>) dst(%arg17 : memref<8192xf32, #tpu.memory_space<vmem>>)
    %add3A_180 = arith.constant 8192 : i32
    %add3A_181 = arith.addi %mul3A_2, %add3A_180 : i32
    %dma_start3A_182 = arith.constant 0 : i32
    %dma_start3A_183 = tpu.memref_slice %arg6[%dma_start3A_182, %add3A_181] : memref<6x1048576xf32, #tpu.memory_space<hbm>> -> memref<1x8192xf32, #tpu.memory_space<hbm>>
    %dma_start3A_184 = tpu.memref_squeeze %dma_start3A_183 : memref<1x8192xf32, #tpu.memory_space<hbm>> -> memref<8192xf32, #tpu.memory_space<hbm>>
    %dma_start3A_185 = tpu.memref_slice %arg6[%dma_start3A_182, %add3A_181] : memref<6x1048576xf32, #tpu.memory_space<hbm>> -> memref<1x8192xf32, #tpu.memory_space<hbm>>
    %dma_start3A_186 = tpu.memref_squeeze %dma_start3A_185 : memref<1x8192xf32, #tpu.memory_space<hbm>> -> memref<8192xf32, #tpu.memory_space<hbm>>
    tpu.enqueue_dma source(%arg14 : memref<8192xf32, #tpu.memory_space<vmem>>) target(%dma_start3A_186 : memref<8192xf32, #tpu.memory_space<hbm>>) target_semaphore(%arg28 : memref<!tpu.dma_semaphore, #tpu.memory_space<semaphore_mem>>)
    %dma_start3A_187 = arith.constant 1 : i32
    %dma_start3A_188 = tpu.memref_slice %arg6[%dma_start3A_187, %add3A_181] : memref<6x1048576xf32, #tpu.memory_space<hbm>> -> memref<1x8192xf32, #tpu.memory_space<hbm>>
    %dma_start3A_189 = tpu.memref_squeeze %dma_start3A_188 : memref<1x8192xf32, #tpu.memory_space<hbm>> -> memref<8192xf32, #tpu.memory_space<hbm>>
    %dma_start3A_190 = tpu.memref_slice %arg6[%dma_start3A_187, %add3A_181] : memref<6x1048576xf32, #tpu.memory_space<hbm>> -> memref<1x8192xf32, #tpu.memory_space<hbm>>
    %dma_start3A_191 = tpu.memref_squeeze %dma_start3A_190 : memref<1x8192xf32, #tpu.memory_space<hbm>> -> memref<8192xf32, #tpu.memory_space<hbm>>
    tpu.enqueue_dma source(%arg15 : memref<8192xf32, #tpu.memory_space<vmem>>) target(%dma_start3A_191 : memref<8192xf32, #tpu.memory_space<hbm>>) target_semaphore(%arg28 : memref<!tpu.dma_semaphore, #tpu.memory_space<semaphore_mem>>)
    %dma_start3A_192 = arith.constant 2 : i32
    %dma_start3A_193 = tpu.memref_slice %arg6[%dma_start3A_192, %add3A_181] : memref<6x1048576xf32, #tpu.memory_space<hbm>> -> memref<1x8192xf32, #tpu.memory_space<hbm>>
    %dma_start3A_194 = tpu.memref_squeeze %dma_start3A_193 : memref<1x8192xf32, #tpu.memory_space<hbm>> -> memref<8192xf32, #tpu.memory_space<hbm>>
    %dma_start3A_195 = tpu.memref_slice %arg6[%dma_start3A_192, %add3A_181] : memref<6x1048576xf32, #tpu.memory_space<hbm>> -> memref<1x8192xf32, #tpu.memory_space<hbm>>
    %dma_start3A_196 = tpu.memref_squeeze %dma_start3A_195 : memref<1x8192xf32, #tpu.memory_space<hbm>> -> memref<8192xf32, #tpu.memory_space<hbm>>
    tpu.enqueue_dma source(%arg16 : memref<8192xf32, #tpu.memory_space<vmem>>) target(%dma_start3A_196 : memref<8192xf32, #tpu.memory_space<hbm>>) target_semaphore(%arg28 : memref<!tpu.dma_semaphore, #tpu.memory_space<semaphore_mem>>)
    %parallel_loop3A_197 = arith.constant 0 : i32
    %parallel_loop3A_198 = arith.constant 512 : i32
    %parallel_loop3A_199 = arith.constant 1 : i32
    scf.for %parallel_loop3A_443 = %parallel_loop3A_197 to %parallel_loop3A_198 step %parallel_loop3A_199  : i32 {
      %parallel_loop3A_444 = arith.constant 16 : i32
      %parallel_loop3A_445 = arith.muli %parallel_loop3A_443, %parallel_loop3A_444 : i32
      %parallel_loop3A_446 = arith.index_cast %parallel_loop3A_445 : i32 to index
      %parallel_loop3A_447 = tpu.vector_load %arg17[%parallel_loop3A_446] {strides = array<i32>} : memref<8192xf32, #tpu.memory_space<vmem>>, vector<16xf32>,
      %parallel_loop3A_448 = arith.fptosi %parallel_loop3A_447 : vector<16xf32> to vector<16xi32>
      %parallel_loop3A_449 = arith.constant 0 : i32
      %parallel_loop3A_450 = arith.constant 255 : i32
      %parallel_loop3A_451 = vector.broadcast %parallel_loop3A_449 : i32 to vector<16xi32>
      %parallel_loop3A_452 = arith.maxsi %parallel_loop3A_451, %parallel_loop3A_448 : vector<16xi32>
      %parallel_loop3A_453 = vector.broadcast %parallel_loop3A_450 : i32 to vector<16xi32>
      %parallel_loop3A_454 = arith.minsi %parallel_loop3A_453, %parallel_loop3A_452 : vector<16xi32>
      %parallel_loop3A_455 = arith.constant 3 : i32
      %parallel_loop3A_456 = vector.broadcast %parallel_loop3A_455 : i32 to vector<16xi32>
      %parallel_loop3A_457 = arith.muli %parallel_loop3A_454, %parallel_loop3A_456 : vector<16xi32>
      %parallel_loop3A_458 = tpu.vector_load_idx %arg21[%parallel_loop3A_457] : memref<768xf32, #tpu.memory_space<vmem>>[vector<16xi32>], vector<16xf32>,
      %parallel_loop3A_459 = arith.index_cast %parallel_loop3A_445 : i32 to index
      %parallel_loop3A_460 = tpu.vector_load %arg18[%parallel_loop3A_459] {strides = array<i32>} : memref<8192xf32, #tpu.memory_space<vmem>>, vector<16xf32>,
      tpu.vector_store %arg18[%parallel_loop3A_459], %parallel_loop3A_458 {strides = array<i32>} : memref<8192xf32, #tpu.memory_space<vmem>>, vector<16xf32>,
      %parallel_loop3A_461 = arith.constant 1 : i32
      %parallel_loop3A_462 = vector.broadcast %parallel_loop3A_461 : i32 to vector<16xi32>
      %parallel_loop3A_463 = arith.addi %parallel_loop3A_457, %parallel_loop3A_462 : vector<16xi32>
      %parallel_loop3A_464 = tpu.vector_load_idx %arg21[%parallel_loop3A_463] : memref<768xf32, #tpu.memory_space<vmem>>[vector<16xi32>], vector<16xf32>,
      %parallel_loop3A_465 = arith.index_cast %parallel_loop3A_445 : i32 to index
      %parallel_loop3A_466 = tpu.vector_load %arg19[%parallel_loop3A_465] {strides = array<i32>} : memref<8192xf32, #tpu.memory_space<vmem>>, vector<16xf32>,
      tpu.vector_store %arg19[%parallel_loop3A_465], %parallel_loop3A_464 {strides = array<i32>} : memref<8192xf32, #tpu.memory_space<vmem>>, vector<16xf32>,
      %parallel_loop3A_467 = arith.constant 2 : i32
      %parallel_loop3A_468 = vector.broadcast %parallel_loop3A_467 : i32 to vector<16xi32>
      %parallel_loop3A_469 = arith.addi %parallel_loop3A_457, %parallel_loop3A_468 : vector<16xi32>
      %parallel_loop3A_470 = tpu.vector_load_idx %arg21[%parallel_loop3A_469] : memref<768xf32, #tpu.memory_space<vmem>>[vector<16xi32>], vector<16xf32>,
      %parallel_loop3A_471 = arith.index_cast %parallel_loop3A_445 : i32 to index
      %parallel_loop3A_472 = tpu.vector_load %arg20[%parallel_loop3A_471] {strides = array<i32>} : memref<8192xf32, #tpu.memory_space<vmem>>, vector<16xf32>,
      tpu.vector_store %arg20[%parallel_loop3A_471], %parallel_loop3A_470 {strides = array<i32>} : memref<8192xf32, #tpu.memory_space<vmem>>, vector<16xf32>,
    } {sc.loop_unroll_factor = 4 : i64, sc.parallel_access}
    %add3A_200 = arith.constant 8192 : i32
    %add3A_201 = arith.addi %mul3A_2, %add3A_200 : i32
    %dma_start3A_202 = arith.constant 3 : i32
    %dma_start3A_203 = tpu.memref_slice %arg6[%dma_start3A_202, %add3A_201] : memref<6x1048576xf32, #tpu.memory_space<hbm>> -> memref<1x8192xf32, #tpu.memory_space<hbm>>
    %dma_start3A_204 = tpu.memref_squeeze %dma_start3A_203 : memref<1x8192xf32, #tpu.memory_space<hbm>> -> memref<8192xf32, #tpu.memory_space<hbm>>
    %dma_start3A_205 = tpu.memref_slice %arg6[%dma_start3A_202, %add3A_201] : memref<6x1048576xf32, #tpu.memory_space<hbm>> -> memref<1x8192xf32, #tpu.memory_space<hbm>>
    %dma_start3A_206 = tpu.memref_squeeze %dma_start3A_205 : memref<1x8192xf32, #tpu.memory_space<hbm>> -> memref<8192xf32, #tpu.memory_space<hbm>>
    tpu.enqueue_dma source(%arg18 : memref<8192xf32, #tpu.memory_space<vmem>>) target(%dma_start3A_206 : memref<8192xf32, #tpu.memory_space<hbm>>) target_semaphore(%arg28 : memref<!tpu.dma_semaphore, #tpu.memory_space<semaphore_mem>>)
    %dma_start3A_207 = arith.constant 4 : i32
    %dma_start3A_208 = tpu.memref_slice %arg6[%dma_start3A_207, %add3A_201] : memref<6x1048576xf32, #tpu.memory_space<hbm>> -> memref<1x8192xf32, #tpu.memory_space<hbm>>
    %dma_start3A_209 = tpu.memref_squeeze %dma_start3A_208 : memref<1x8192xf32, #tpu.memory_space<hbm>> -> memref<8192xf32, #tpu.memory_space<hbm>>
    %dma_start3A_210 = tpu.memref_slice %arg6[%dma_start3A_207, %add3A_201] : memref<6x1048576xf32, #tpu.memory_space<hbm>> -> memref<1x8192xf32, #tpu.memory_space<hbm>>
    %dma_start3A_211 = tpu.memref_squeeze %dma_start3A_210 : memref<1x8192xf32, #tpu.memory_space<hbm>> -> memref<8192xf32, #tpu.memory_space<hbm>>
    tpu.enqueue_dma source(%arg19 : memref<8192xf32, #tpu.memory_space<vmem>>) target(%dma_start3A_211 : memref<8192xf32, #tpu.memory_space<hbm>>) target_semaphore(%arg28 : memref<!tpu.dma_semaphore, #tpu.memory_space<semaphore_mem>>)
    %dma_start3A_212 = arith.constant 5 : i32
    %dma_start3A_213 = tpu.memref_slice %arg6[%dma_start3A_212, %add3A_201] : memref<6x1048576xf32, #tpu.memory_space<hbm>> -> memref<1x8192xf32, #tpu.memory_space<hbm>>
    %dma_start3A_214 = tpu.memref_squeeze %dma_start3A_213 : memref<1x8192xf32, #tpu.memory_space<hbm>> -> memref<8192xf32, #tpu.memory_space<hbm>>
    %dma_start3A_215 = tpu.memref_slice %arg6[%dma_start3A_212, %add3A_201] : memref<6x1048576xf32, #tpu.memory_space<hbm>> -> memref<1x8192xf32, #tpu.memory_space<hbm>>
    %dma_start3A_216 = tpu.memref_squeeze %dma_start3A_215 : memref<1x8192xf32, #tpu.memory_space<hbm>> -> memref<8192xf32, #tpu.memory_space<hbm>>
    tpu.enqueue_dma source(%arg20 : memref<8192xf32, #tpu.memory_space<vmem>>) target(%dma_start3A_216 : memref<8192xf32, #tpu.memory_space<hbm>>) target_semaphore(%arg28 : memref<!tpu.dma_semaphore, #tpu.memory_space<semaphore_mem>>)
    %dma_wait3A_217 = arith.constant 0 : i32
    %dma_wait3A_218 = tpu.memref_slice %arg6[%dma_wait3A_217, %add3A_181] : memref<6x1048576xf32, #tpu.memory_space<hbm>> -> memref<1x8192xf32, #tpu.memory_space<hbm>>
    %dma_wait3A_219 = tpu.memref_squeeze %dma_wait3A_218 : memref<1x8192xf32, #tpu.memory_space<hbm>> -> memref<8192xf32, #tpu.memory_space<hbm>>
    %dma_wait3A_220 = tpu.memref_slice %arg6[%dma_wait3A_217, %add3A_181] : memref<6x1048576xf32, #tpu.memory_space<hbm>> -> memref<1x8192xf32, #tpu.memory_space<hbm>>
    %dma_wait3A_221 = tpu.memref_squeeze %dma_wait3A_220 : memref<1x8192xf32, #tpu.memory_space<hbm>> -> memref<8192xf32, #tpu.memory_space<hbm>>
    tpu.wait_dma2 semaphore(%arg28 : memref<!tpu.dma_semaphore, #tpu.memory_space<semaphore_mem>>) src(%arg14 : memref<8192xf32, #tpu.memory_space<vmem>>) dst(%dma_wait3A_221 : memref<8192xf32, #tpu.memory_space<hbm>>)
    %dma_wait3A_222 = arith.constant 1 : i32
    %dma_wait3A_223 = tpu.memref_slice %arg6[%dma_wait3A_222, %add3A_181] : memref<6x1048576xf32, #tpu.memory_space<hbm>> -> memref<1x8192xf32, #tpu.memory_space<hbm>>
    %dma_wait3A_224 = tpu.memref_squeeze %dma_wait3A_223 : memref<1x8192xf32, #tpu.memory_space<hbm>> -> memref<8192xf32, #tpu.memory_space<hbm>>
    %dma_wait3A_225 = tpu.memref_slice %arg6[%dma_wait3A_222, %add3A_181] : memref<6x1048576xf32, #tpu.memory_space<hbm>> -> memref<1x8192xf32, #tpu.memory_space<hbm>>
    %dma_wait3A_226 = tpu.memref_squeeze %dma_wait3A_225 : memref<1x8192xf32, #tpu.memory_space<hbm>> -> memref<8192xf32, #tpu.memory_space<hbm>>
    tpu.wait_dma2 semaphore(%arg28 : memref<!tpu.dma_semaphore, #tpu.memory_space<semaphore_mem>>) src(%arg15 : memref<8192xf32, #tpu.memory_space<vmem>>) dst(%dma_wait3A_226 : memref<8192xf32, #tpu.memory_space<hbm>>)
    %dma_wait3A_227 = arith.constant 2 : i32
    %dma_wait3A_228 = tpu.memref_slice %arg6[%dma_wait3A_227, %add3A_181] : memref<6x1048576xf32, #tpu.memory_space<hbm>> -> memref<1x8192xf32, #tpu.memory_space<hbm>>
    %dma_wait3A_229 = tpu.memref_squeeze %dma_wait3A_228 : memref<1x8192xf32, #tpu.memory_space<hbm>> -> memref<8192xf32, #tpu.memory_space<hbm>>
    %dma_wait3A_230 = tpu.memref_slice %arg6[%dma_wait3A_227, %add3A_181] : memref<6x1048576xf32, #tpu.memory_space<hbm>> -> memref<1x8192xf32, #tpu.memory_space<hbm>>
    %dma_wait3A_231 = tpu.memref_squeeze %dma_wait3A_230 : memref<1x8192xf32, #tpu.memory_space<hbm>> -> memref<8192xf32, #tpu.memory_space<hbm>>
    tpu.wait_dma2 semaphore(%arg28 : memref<!tpu.dma_semaphore, #tpu.memory_space<semaphore_mem>>) src(%arg16 : memref<8192xf32, #tpu.memory_space<vmem>>) dst(%dma_wait3A_231 : memref<8192xf32, #tpu.memory_space<hbm>>)
    %dma_wait3A_232 = arith.constant 3 : i32
    %dma_wait3A_233 = tpu.memref_slice %arg6[%dma_wait3A_232, %add3A_201] : memref<6x1048576xf32, #tpu.memory_space<hbm>> -> memref<1x8192xf32, #tpu.memory_space<hbm>>
    %dma_wait3A_234 = tpu.memref_squeeze %dma_wait3A_233 : memref<1x8192xf32, #tpu.memory_space<hbm>> -> memref<8192xf32, #tpu.memory_space<hbm>>
    %dma_wait3A_235 = tpu.memref_slice %arg6[%dma_wait3A_232, %add3A_201] : memref<6x1048576xf32, #tpu.memory_space<hbm>> -> memref<1x8192xf32, #tpu.memory_space<hbm>>
    %dma_wait3A_236 = tpu.memref_squeeze %dma_wait3A_235 : memref<1x8192xf32, #tpu.memory_space<hbm>> -> memref<8192xf32, #tpu.memory_space<hbm>>
    tpu.wait_dma2 semaphore(%arg28 : memref<!tpu.dma_semaphore, #tpu.memory_space<semaphore_mem>>) src(%arg18 : memref<8192xf32, #tpu.memory_space<vmem>>) dst(%dma_wait3A_236 : memref<8192xf32, #tpu.memory_space<hbm>>)
    %dma_wait3A_237 = arith.constant 4 : i32
    %dma_wait3A_238 = tpu.memref_slice %arg6[%dma_wait3A_237, %add3A_201] : memref<6x1048576xf32, #tpu.memory_space<hbm>> -> memref<1x8192xf32, #tpu.memory_space<hbm>>
    %dma_wait3A_239 = tpu.memref_squeeze %dma_wait3A_238 : memref<1x8192xf32, #tpu.memory_space<hbm>> -> memref<8192xf32, #tpu.memory_space<hbm>>
    %dma_wait3A_240 = tpu.memref_slice %arg6[%dma_wait3A_237, %add3A_201] : memref<6x1048576xf32, #tpu.memory_space<hbm>> -> memref<1x8192xf32, #tpu.memory_space<hbm>>
    %dma_wait3A_241 = tpu.memref_squeeze %dma_wait3A_240 : memref<1x8192xf32, #tpu.memory_space<hbm>> -> memref<8192xf32, #tpu.memory_space<hbm>>
    tpu.wait_dma2 semaphore(%arg28 : memref<!tpu.dma_semaphore, #tpu.memory_space<semaphore_mem>>) src(%arg19 : memref<8192xf32, #tpu.memory_space<vmem>>) dst(%dma_wait3A_241 : memref<8192xf32, #tpu.memory_space<hbm>>)
    %dma_wait3A_242 = arith.constant 5 : i32
    %dma_wait3A_243 = tpu.memref_slice %arg6[%dma_wait3A_242, %add3A_201] : memref<6x1048576xf32, #tpu.memory_space<hbm>> -> memref<1x8192xf32, #tpu.memory_space<hbm>>
    %dma_wait3A_244 = tpu.memref_squeeze %dma_wait3A_243 : memref<1x8192xf32, #tpu.memory_space<hbm>> -> memref<8192xf32, #tpu.memory_space<hbm>>
    %dma_wait3A_245 = tpu.memref_slice %arg6[%dma_wait3A_242, %add3A_201] : memref<6x1048576xf32, #tpu.memory_space<hbm>> -> memref<1x8192xf32, #tpu.memory_space<hbm>>
    %dma_wait3A_246 = tpu.memref_squeeze %dma_wait3A_245 : memref<1x8192xf32, #tpu.memory_space<hbm>> -> memref<8192xf32, #tpu.memory_space<hbm>>
    tpu.wait_dma2 semaphore(%arg28 : memref<!tpu.dma_semaphore, #tpu.memory_space<semaphore_mem>>) src(%arg20 : memref<8192xf32, #tpu.memory_space<vmem>>) dst(%dma_wait3A_246 : memref<8192xf32, #tpu.memory_space<hbm>>)
    %add3A_247 = arith.constant 24576 : i32
    %add3A_248 = arith.addi %mul3A_2, %add3A_247 : i32
    %dma_start3A_249 = arith.constant 0 : i32
    %dma_start3A_250 = tpu.memref_slice %arg2[%dma_start3A_249, %add3A_248] : memref<5x1048576xf32, #tpu.memory_space<hbm>> -> memref<1x8192xf32, #tpu.memory_space<hbm>>
    %dma_start3A_251 = tpu.memref_squeeze %dma_start3A_250 : memref<1x8192xf32, #tpu.memory_space<hbm>> -> memref<8192xf32, #tpu.memory_space<hbm>>
    %dma_start3A_252 = tpu.memref_slice %arg2[%dma_start3A_249, %add3A_248] : memref<5x1048576xf32, #tpu.memory_space<hbm>> -> memref<1x8192xf32, #tpu.memory_space<hbm>>
    %dma_start3A_253 = tpu.memref_squeeze %dma_start3A_252 : memref<1x8192xf32, #tpu.memory_space<hbm>> -> memref<8192xf32, #tpu.memory_space<hbm>>
    tpu.enqueue_dma source(%dma_start3A_253 : memref<8192xf32, #tpu.memory_space<hbm>>) target(%arg14 : memref<8192xf32, #tpu.memory_space<vmem>>) target_semaphore(%arg26 : memref<!tpu.dma_semaphore, #tpu.memory_space<semaphore_mem>>)
    %dma_start3A_254 = arith.constant 1 : i32
    %dma_start3A_255 = tpu.memref_slice %arg2[%dma_start3A_254, %add3A_248] : memref<5x1048576xf32, #tpu.memory_space<hbm>> -> memref<1x8192xf32, #tpu.memory_space<hbm>>
    %dma_start3A_256 = tpu.memref_squeeze %dma_start3A_255 : memref<1x8192xf32, #tpu.memory_space<hbm>> -> memref<8192xf32, #tpu.memory_space<hbm>>
    %dma_start3A_257 = tpu.memref_slice %arg2[%dma_start3A_254, %add3A_248] : memref<5x1048576xf32, #tpu.memory_space<hbm>> -> memref<1x8192xf32, #tpu.memory_space<hbm>>
    %dma_start3A_258 = tpu.memref_squeeze %dma_start3A_257 : memref<1x8192xf32, #tpu.memory_space<hbm>> -> memref<8192xf32, #tpu.memory_space<hbm>>
    tpu.enqueue_dma source(%dma_start3A_258 : memref<8192xf32, #tpu.memory_space<hbm>>) target(%arg15 : memref<8192xf32, #tpu.memory_space<vmem>>) target_semaphore(%arg26 : memref<!tpu.dma_semaphore, #tpu.memory_space<semaphore_mem>>)
    %dma_start3A_259 = arith.constant 2 : i32
    %dma_start3A_260 = tpu.memref_slice %arg2[%dma_start3A_259, %add3A_248] : memref<5x1048576xf32, #tpu.memory_space<hbm>> -> memref<1x8192xf32, #tpu.memory_space<hbm>>
    %dma_start3A_261 = tpu.memref_squeeze %dma_start3A_260 : memref<1x8192xf32, #tpu.memory_space<hbm>> -> memref<8192xf32, #tpu.memory_space<hbm>>
    %dma_start3A_262 = tpu.memref_slice %arg2[%dma_start3A_259, %add3A_248] : memref<5x1048576xf32, #tpu.memory_space<hbm>> -> memref<1x8192xf32, #tpu.memory_space<hbm>>
    %dma_start3A_263 = tpu.memref_squeeze %dma_start3A_262 : memref<1x8192xf32, #tpu.memory_space<hbm>> -> memref<8192xf32, #tpu.memory_space<hbm>>
    tpu.enqueue_dma source(%dma_start3A_263 : memref<8192xf32, #tpu.memory_space<hbm>>) target(%arg16 : memref<8192xf32, #tpu.memory_space<vmem>>) target_semaphore(%arg26 : memref<!tpu.dma_semaphore, #tpu.memory_space<semaphore_mem>>)
    %dma_start3A_264 = arith.constant 3 : i32
    %dma_start3A_265 = tpu.memref_slice %arg2[%dma_start3A_264, %add3A_248] : memref<5x1048576xf32, #tpu.memory_space<hbm>> -> memref<1x8192xf32, #tpu.memory_space<hbm>>
    %dma_start3A_266 = tpu.memref_squeeze %dma_start3A_265 : memref<1x8192xf32, #tpu.memory_space<hbm>> -> memref<8192xf32, #tpu.memory_space<hbm>>
    %dma_start3A_267 = tpu.memref_slice %arg2[%dma_start3A_264, %add3A_248] : memref<5x1048576xf32, #tpu.memory_space<hbm>> -> memref<1x8192xf32, #tpu.memory_space<hbm>>
    %dma_start3A_268 = tpu.memref_squeeze %dma_start3A_267 : memref<1x8192xf32, #tpu.memory_space<hbm>> -> memref<8192xf32, #tpu.memory_space<hbm>>
    tpu.enqueue_dma source(%dma_start3A_268 : memref<8192xf32, #tpu.memory_space<hbm>>) target(%arg17 : memref<8192xf32, #tpu.memory_space<vmem>>) target_semaphore(%arg26 : memref<!tpu.dma_semaphore, #tpu.memory_space<semaphore_mem>>)
    %dma_wait3A_269 = arith.constant 0 : i32
    %dma_wait3A_270 = tpu.memref_slice %arg2[%dma_wait3A_269, %add3A_139] : memref<5x1048576xf32, #tpu.memory_space<hbm>> -> memref<1x8192xf32, #tpu.memory_space<hbm>>
    %dma_wait3A_271 = tpu.memref_squeeze %dma_wait3A_270 : memref<1x8192xf32, #tpu.memory_space<hbm>> -> memref<8192xf32, #tpu.memory_space<hbm>>
    %dma_wait3A_272 = tpu.memref_slice %arg2[%dma_wait3A_269, %add3A_139] : memref<5x1048576xf32, #tpu.memory_space<hbm>> -> memref<1x8192xf32, #tpu.memory_space<hbm>>
    %dma_wait3A_273 = tpu.memref_squeeze %dma_wait3A_272 : memref<1x8192xf32, #tpu.memory_space<hbm>> -> memref<8192xf32, #tpu.memory_space<hbm>>
    tpu.wait_dma2 semaphore(%arg25 : memref<!tpu.dma_semaphore, #tpu.memory_space<semaphore_mem>>) src(%dma_wait3A_273 : memref<8192xf32, #tpu.memory_space<hbm>>) dst(%arg7 : memref<8192xf32, #tpu.memory_space<vmem>>)
    %dma_wait3A_274 = arith.constant 1 : i32
    %dma_wait3A_275 = tpu.memref_slice %arg2[%dma_wait3A_274, %add3A_139] : memref<5x1048576xf32, #tpu.memory_space<hbm>> -> memref<1x8192xf32, #tpu.memory_space<hbm>>
    %dma_wait3A_276 = tpu.memref_squeeze %dma_wait3A_275 : memref<1x8192xf32, #tpu.memory_space<hbm>> -> memref<8192xf32, #tpu.memory_space<hbm>>
    %dma_wait3A_277 = tpu.memref_slice %arg2[%dma_wait3A_274, %add3A_139] : memref<5x1048576xf32, #tpu.memory_space<hbm>> -> memref<1x8192xf32, #tpu.memory_space<hbm>>
    %dma_wait3A_278 = tpu.memref_squeeze %dma_wait3A_277 : memref<1x8192xf32, #tpu.memory_space<hbm>> -> memref<8192xf32, #tpu.memory_space<hbm>>
    tpu.wait_dma2 semaphore(%arg25 : memref<!tpu.dma_semaphore, #tpu.memory_space<semaphore_mem>>) src(%dma_wait3A_278 : memref<8192xf32, #tpu.memory_space<hbm>>) dst(%arg8 : memref<8192xf32, #tpu.memory_space<vmem>>)
    %dma_wait3A_279 = arith.constant 2 : i32
    %dma_wait3A_280 = tpu.memref_slice %arg2[%dma_wait3A_279, %add3A_139] : memref<5x1048576xf32, #tpu.memory_space<hbm>> -> memref<1x8192xf32, #tpu.memory_space<hbm>>
    %dma_wait3A_281 = tpu.memref_squeeze %dma_wait3A_280 : memref<1x8192xf32, #tpu.memory_space<hbm>> -> memref<8192xf32, #tpu.memory_space<hbm>>
    %dma_wait3A_282 = tpu.memref_slice %arg2[%dma_wait3A_279, %add3A_139] : memref<5x1048576xf32, #tpu.memory_space<hbm>> -> memref<1x8192xf32, #tpu.memory_space<hbm>>
    %dma_wait3A_283 = tpu.memref_squeeze %dma_wait3A_282 : memref<1x8192xf32, #tpu.memory_space<hbm>> -> memref<8192xf32, #tpu.memory_space<hbm>>
    tpu.wait_dma2 semaphore(%arg25 : memref<!tpu.dma_semaphore, #tpu.memory_space<semaphore_mem>>) src(%dma_wait3A_283 : memref<8192xf32, #tpu.memory_space<hbm>>) dst(%arg9 : memref<8192xf32, #tpu.memory_space<vmem>>)
    %dma_wait3A_284 = arith.constant 3 : i32
    %dma_wait3A_285 = tpu.memref_slice %arg2[%dma_wait3A_284, %add3A_139] : memref<5x1048576xf32, #tpu.memory_space<hbm>> -> memref<1x8192xf32, #tpu.memory_space<hbm>>
    %dma_wait3A_286 = tpu.memref_squeeze %dma_wait3A_285 : memref<1x8192xf32, #tpu.memory_space<hbm>> -> memref<8192xf32, #tpu.memory_space<hbm>>
    %dma_wait3A_287 = tpu.memref_slice %arg2[%dma_wait3A_284, %add3A_139] : memref<5x1048576xf32, #tpu.memory_space<hbm>> -> memref<1x8192xf32, #tpu.memory_space<hbm>>
    %dma_wait3A_288 = tpu.memref_squeeze %dma_wait3A_287 : memref<1x8192xf32, #tpu.memory_space<hbm>> -> memref<8192xf32, #tpu.memory_space<hbm>>
    tpu.wait_dma2 semaphore(%arg25 : memref<!tpu.dma_semaphore, #tpu.memory_space<semaphore_mem>>) src(%dma_wait3A_288 : memref<8192xf32, #tpu.memory_space<hbm>>) dst(%arg10 : memref<8192xf32, #tpu.memory_space<vmem>>)
    %add3A_289 = arith.constant 16384 : i32
    %add3A_290 = arith.addi %mul3A_2, %add3A_289 : i32
    %dma_start3A_291 = arith.constant 0 : i32
    %dma_start3A_292 = tpu.memref_slice %arg6[%dma_start3A_291, %add3A_290] : memref<6x1048576xf32, #tpu.memory_space<hbm>> -> memref<1x8192xf32, #tpu.memory_space<hbm>>
    %dma_start3A_293 = tpu.memref_squeeze %dma_start3A_292 : memref<1x8192xf32, #tpu.memory_space<hbm>> -> memref<8192xf32, #tpu.memory_space<hbm>>
    %dma_start3A_294 = tpu.memref_slice %arg6[%dma_start3A_291, %add3A_290] : memref<6x1048576xf32, #tpu.memory_space<hbm>> -> memref<1x8192xf32, #tpu.memory_space<hbm>>
    %dma_start3A_295 = tpu.memref_squeeze %dma_start3A_294 : memref<1x8192xf32, #tpu.memory_space<hbm>> -> memref<8192xf32, #tpu.memory_space<hbm>>
    tpu.enqueue_dma source(%arg7 : memref<8192xf32, #tpu.memory_space<vmem>>) target(%dma_start3A_295 : memref<8192xf32, #tpu.memory_space<hbm>>) target_semaphore(%arg27 : memref<!tpu.dma_semaphore, #tpu.memory_space<semaphore_mem>>)
    %dma_start3A_296 = arith.constant 1 : i32
    %dma_start3A_297 = tpu.memref_slice %arg6[%dma_start3A_296, %add3A_290] : memref<6x1048576xf32, #tpu.memory_space<hbm>> -> memref<1x8192xf32, #tpu.memory_space<hbm>>
    %dma_start3A_298 = tpu.memref_squeeze %dma_start3A_297 : memref<1x8192xf32, #tpu.memory_space<hbm>> -> memref<8192xf32, #tpu.memory_space<hbm>>
    %dma_start3A_299 = tpu.memref_slice %arg6[%dma_start3A_296, %add3A_290] : memref<6x1048576xf32, #tpu.memory_space<hbm>> -> memref<1x8192xf32, #tpu.memory_space<hbm>>
    %dma_start3A_300 = tpu.memref_squeeze %dma_start3A_299 : memref<1x8192xf32, #tpu.memory_space<hbm>> -> memref<8192xf32, #tpu.memory_space<hbm>>
    tpu.enqueue_dma source(%arg8 : memref<8192xf32, #tpu.memory_space<vmem>>) target(%dma_start3A_300 : memref<8192xf32, #tpu.memory_space<hbm>>) target_semaphore(%arg27 : memref<!tpu.dma_semaphore, #tpu.memory_space<semaphore_mem>>)
    %dma_start3A_301 = arith.constant 2 : i32
    %dma_start3A_302 = tpu.memref_slice %arg6[%dma_start3A_301, %add3A_290] : memref<6x1048576xf32, #tpu.memory_space<hbm>> -> memref<1x8192xf32, #tpu.memory_space<hbm>>
    %dma_start3A_303 = tpu.memref_squeeze %dma_start3A_302 : memref<1x8192xf32, #tpu.memory_space<hbm>> -> memref<8192xf32, #tpu.memory_space<hbm>>
    %dma_start3A_304 = tpu.memref_slice %arg6[%dma_start3A_301, %add3A_290] : memref<6x1048576xf32, #tpu.memory_space<hbm>> -> memref<1x8192xf32, #tpu.memory_space<hbm>>
    %dma_start3A_305 = tpu.memref_squeeze %dma_start3A_304 : memref<1x8192xf32, #tpu.memory_space<hbm>> -> memref<8192xf32, #tpu.memory_space<hbm>>
    tpu.enqueue_dma source(%arg9 : memref<8192xf32, #tpu.memory_space<vmem>>) target(%dma_start3A_305 : memref<8192xf32, #tpu.memory_space<hbm>>) target_semaphore(%arg27 : memref<!tpu.dma_semaphore, #tpu.memory_space<semaphore_mem>>)
    %parallel_loop3A_306 = arith.constant 0 : i32
    %parallel_loop3A_307 = arith.constant 512 : i32
    %parallel_loop3A_308 = arith.constant 1 : i32
    scf.for %parallel_loop3A_443 = %parallel_loop3A_306 to %parallel_loop3A_307 step %parallel_loop3A_308  : i32 {
      %parallel_loop3A_444 = arith.constant 16 : i32
      %parallel_loop3A_445 = arith.muli %parallel_loop3A_443, %parallel_loop3A_444 : i32
      %parallel_loop3A_446 = arith.index_cast %parallel_loop3A_445 : i32 to index
      %parallel_loop3A_447 = tpu.vector_load %arg10[%parallel_loop3A_446] {strides = array<i32>} : memref<8192xf32, #tpu.memory_space<vmem>>, vector<16xf32>,
      %parallel_loop3A_448 = arith.fptosi %parallel_loop3A_447 : vector<16xf32> to vector<16xi32>
      %parallel_loop3A_449 = arith.constant 0 : i32
      %parallel_loop3A_450 = arith.constant 255 : i32
      %parallel_loop3A_451 = vector.broadcast %parallel_loop3A_449 : i32 to vector<16xi32>
      %parallel_loop3A_452 = arith.maxsi %parallel_loop3A_451, %parallel_loop3A_448 : vector<16xi32>
      %parallel_loop3A_453 = vector.broadcast %parallel_loop3A_450 : i32 to vector<16xi32>
      %parallel_loop3A_454 = arith.minsi %parallel_loop3A_453, %parallel_loop3A_452 : vector<16xi32>
      %parallel_loop3A_455 = arith.constant 3 : i32
      %parallel_loop3A_456 = vector.broadcast %parallel_loop3A_455 : i32 to vector<16xi32>
      %parallel_loop3A_457 = arith.muli %parallel_loop3A_454, %parallel_loop3A_456 : vector<16xi32>
      %parallel_loop3A_458 = tpu.vector_load_idx %arg21[%parallel_loop3A_457] : memref<768xf32, #tpu.memory_space<vmem>>[vector<16xi32>], vector<16xf32>,
      %parallel_loop3A_459 = arith.index_cast %parallel_loop3A_445 : i32 to index
      %parallel_loop3A_460 = tpu.vector_load %arg11[%parallel_loop3A_459] {strides = array<i32>} : memref<8192xf32, #tpu.memory_space<vmem>>, vector<16xf32>,
      tpu.vector_store %arg11[%parallel_loop3A_459], %parallel_loop3A_458 {strides = array<i32>} : memref<8192xf32, #tpu.memory_space<vmem>>, vector<16xf32>,
      %parallel_loop3A_461 = arith.constant 1 : i32
      %parallel_loop3A_462 = vector.broadcast %parallel_loop3A_461 : i32 to vector<16xi32>
      %parallel_loop3A_463 = arith.addi %parallel_loop3A_457, %parallel_loop3A_462 : vector<16xi32>
      %parallel_loop3A_464 = tpu.vector_load_idx %arg21[%parallel_loop3A_463] : memref<768xf32, #tpu.memory_space<vmem>>[vector<16xi32>], vector<16xf32>,
      %parallel_loop3A_465 = arith.index_cast %parallel_loop3A_445 : i32 to index
      %parallel_loop3A_466 = tpu.vector_load %arg12[%parallel_loop3A_465] {strides = array<i32>} : memref<8192xf32, #tpu.memory_space<vmem>>, vector<16xf32>,
      tpu.vector_store %arg12[%parallel_loop3A_465], %parallel_loop3A_464 {strides = array<i32>} : memref<8192xf32, #tpu.memory_space<vmem>>, vector<16xf32>,
      %parallel_loop3A_467 = arith.constant 2 : i32
      %parallel_loop3A_468 = vector.broadcast %parallel_loop3A_467 : i32 to vector<16xi32>
      %parallel_loop3A_469 = arith.addi %parallel_loop3A_457, %parallel_loop3A_468 : vector<16xi32>
      %parallel_loop3A_470 = tpu.vector_load_idx %arg21[%parallel_loop3A_469] : memref<768xf32, #tpu.memory_space<vmem>>[vector<16xi32>], vector<16xf32>,
      %parallel_loop3A_471 = arith.index_cast %parallel_loop3A_445 : i32 to index
      %parallel_loop3A_472 = tpu.vector_load %arg13[%parallel_loop3A_471] {strides = array<i32>} : memref<8192xf32, #tpu.memory_space<vmem>>, vector<16xf32>,
      tpu.vector_store %arg13[%parallel_loop3A_471], %parallel_loop3A_470 {strides = array<i32>} : memref<8192xf32, #tpu.memory_space<vmem>>, vector<16xf32>,
    } {sc.loop_unroll_factor = 4 : i64, sc.parallel_access}
    %add3A_309 = arith.constant 16384 : i32
    %add3A_310 = arith.addi %mul3A_2, %add3A_309 : i32
    %dma_start3A_311 = arith.constant 3 : i32
    %dma_start3A_312 = tpu.memref_slice %arg6[%dma_start3A_311, %add3A_310] : memref<6x1048576xf32, #tpu.memory_space<hbm>> -> memref<1x8192xf32, #tpu.memory_space<hbm>>
    %dma_start3A_313 = tpu.memref_squeeze %dma_start3A_312 : memref<1x8192xf32, #tpu.memory_space<hbm>> -> memref<8192xf32, #tpu.memory_space<hbm>>
    %dma_start3A_314 = tpu.memref_slice %arg6[%dma_start3A_311, %add3A_310] : memref<6x1048576xf32, #tpu.memory_space<hbm>> -> memref<1x8192xf32, #tpu.memory_space<hbm>>
    %dma_start3A_315 = tpu.memref_squeeze %dma_start3A_314 : memref<1x8192xf32, #tpu.memory_space<hbm>> -> memref<8192xf32, #tpu.memory_space<hbm>>
    tpu.enqueue_dma source(%arg11 : memref<8192xf32, #tpu.memory_space<vmem>>) target(%dma_start3A_315 : memref<8192xf32, #tpu.memory_space<hbm>>) target_semaphore(%arg27 : memref<!tpu.dma_semaphore, #tpu.memory_space<semaphore_mem>>)
    %dma_start3A_316 = arith.constant 4 : i32
    %dma_start3A_317 = tpu.memref_slice %arg6[%dma_start3A_316, %add3A_310] : memref<6x1048576xf32, #tpu.memory_space<hbm>> -> memref<1x8192xf32, #tpu.memory_space<hbm>>
    %dma_start3A_318 = tpu.memref_squeeze %dma_start3A_317 : memref<1x8192xf32, #tpu.memory_space<hbm>> -> memref<8192xf32, #tpu.memory_space<hbm>>
    %dma_start3A_319 = tpu.memref_slice %arg6[%dma_start3A_316, %add3A_310] : memref<6x1048576xf32, #tpu.memory_space<hbm>> -> memref<1x8192xf32, #tpu.memory_space<hbm>>
    %dma_start3A_320 = tpu.memref_squeeze %dma_start3A_319 : memref<1x8192xf32, #tpu.memory_space<hbm>> -> memref<8192xf32, #tpu.memory_space<hbm>>
    tpu.enqueue_dma source(%arg12 : memref<8192xf32, #tpu.memory_space<vmem>>) target(%dma_start3A_320 : memref<8192xf32, #tpu.memory_space<hbm>>) target_semaphore(%arg27 : memref<!tpu.dma_semaphore, #tpu.memory_space<semaphore_mem>>)
    %dma_start3A_321 = arith.constant 5 : i32
    %dma_start3A_322 = tpu.memref_slice %arg6[%dma_start3A_321, %add3A_310] : memref<6x1048576xf32, #tpu.memory_space<hbm>> -> memref<1x8192xf32, #tpu.memory_space<hbm>>
    %dma_start3A_323 = tpu.memref_squeeze %dma_start3A_322 : memref<1x8192xf32, #tpu.memory_space<hbm>> -> memref<8192xf32, #tpu.memory_space<hbm>>
    %dma_start3A_324 = tpu.memref_slice %arg6[%dma_start3A_321, %add3A_310] : memref<6x1048576xf32, #tpu.memory_space<hbm>> -> memref<1x8192xf32, #tpu.memory_space<hbm>>
    %dma_start3A_325 = tpu.memref_squeeze %dma_start3A_324 : memref<1x8192xf32, #tpu.memory_space<hbm>> -> memref<8192xf32, #tpu.memory_space<hbm>>
    tpu.enqueue_dma source(%arg13 : memref<8192xf32, #tpu.memory_space<vmem>>) target(%dma_start3A_325 : memref<8192xf32, #tpu.memory_space<hbm>>) target_semaphore(%arg27 : memref<!tpu.dma_semaphore, #tpu.memory_space<semaphore_mem>>)
    %dma_wait3A_326 = arith.constant 0 : i32
    %dma_wait3A_327 = tpu.memref_slice %arg2[%dma_wait3A_326, %add3A_248] : memref<5x1048576xf32, #tpu.memory_space<hbm>> -> memref<1x8192xf32, #tpu.memory_space<hbm>>
    %dma_wait3A_328 = tpu.memref_squeeze %dma_wait3A_327 : memref<1x8192xf32, #tpu.memory_space<hbm>> -> memref<8192xf32, #tpu.memory_space<hbm>>
    %dma_wait3A_329 = tpu.memref_slice %arg2[%dma_wait3A_326, %add3A_248] : memref<5x1048576xf32, #tpu.memory_space<hbm>> -> memref<1x8192xf32, #tpu.memory_space<hbm>>
    %dma_wait3A_330 = tpu.memref_squeeze %dma_wait3A_329 : memref<1x8192xf32, #tpu.memory_space<hbm>> -> memref<8192xf32, #tpu.memory_space<hbm>>
    tpu.wait_dma2 semaphore(%arg26 : memref<!tpu.dma_semaphore, #tpu.memory_space<semaphore_mem>>) src(%dma_wait3A_330 : memref<8192xf32, #tpu.memory_space<hbm>>) dst(%arg14 : memref<8192xf32, #tpu.memory_space<vmem>>)
    %dma_wait3A_331 = arith.constant 1 : i32
    %dma_wait3A_332 = tpu.memref_slice %arg2[%dma_wait3A_331, %add3A_248] : memref<5x1048576xf32, #tpu.memory_space<hbm>> -> memref<1x8192xf32, #tpu.memory_space<hbm>>
    %dma_wait3A_333 = tpu.memref_squeeze %dma_wait3A_332 : memref<1x8192xf32, #tpu.memory_space<hbm>> -> memref<8192xf32, #tpu.memory_space<hbm>>
    %dma_wait3A_334 = tpu.memref_slice %arg2[%dma_wait3A_331, %add3A_248] : memref<5x1048576xf32, #tpu.memory_space<hbm>> -> memref<1x8192xf32, #tpu.memory_space<hbm>>
    %dma_wait3A_335 = tpu.memref_squeeze %dma_wait3A_334 : memref<1x8192xf32, #tpu.memory_space<hbm>> -> memref<8192xf32, #tpu.memory_space<hbm>>
    tpu.wait_dma2 semaphore(%arg26 : memref<!tpu.dma_semaphore, #tpu.memory_space<semaphore_mem>>) src(%dma_wait3A_335 : memref<8192xf32, #tpu.memory_space<hbm>>) dst(%arg15 : memref<8192xf32, #tpu.memory_space<vmem>>)
    %dma_wait3A_336 = arith.constant 2 : i32
    %dma_wait3A_337 = tpu.memref_slice %arg2[%dma_wait3A_336, %add3A_248] : memref<5x1048576xf32, #tpu.memory_space<hbm>> -> memref<1x8192xf32, #tpu.memory_space<hbm>>
    %dma_wait3A_338 = tpu.memref_squeeze %dma_wait3A_337 : memref<1x8192xf32, #tpu.memory_space<hbm>> -> memref<8192xf32, #tpu.memory_space<hbm>>
    %dma_wait3A_339 = tpu.memref_slice %arg2[%dma_wait3A_336, %add3A_248] : memref<5x1048576xf32, #tpu.memory_space<hbm>> -> memref<1x8192xf32, #tpu.memory_space<hbm>>
    %dma_wait3A_340 = tpu.memref_squeeze %dma_wait3A_339 : memref<1x8192xf32, #tpu.memory_space<hbm>> -> memref<8192xf32, #tpu.memory_space<hbm>>
    tpu.wait_dma2 semaphore(%arg26 : memref<!tpu.dma_semaphore, #tpu.memory_space<semaphore_mem>>) src(%dma_wait3A_340 : memref<8192xf32, #tpu.memory_space<hbm>>) dst(%arg16 : memref<8192xf32, #tpu.memory_space<vmem>>)
    %dma_wait3A_341 = arith.constant 3 : i32
    %dma_wait3A_342 = tpu.memref_slice %arg2[%dma_wait3A_341, %add3A_248] : memref<5x1048576xf32, #tpu.memory_space<hbm>> -> memref<1x8192xf32, #tpu.memory_space<hbm>>
    %dma_wait3A_343 = tpu.memref_squeeze %dma_wait3A_342 : memref<1x8192xf32, #tpu.memory_space<hbm>> -> memref<8192xf32, #tpu.memory_space<hbm>>
    %dma_wait3A_344 = tpu.memref_slice %arg2[%dma_wait3A_341, %add3A_248] : memref<5x1048576xf32, #tpu.memory_space<hbm>> -> memref<1x8192xf32, #tpu.memory_space<hbm>>
    %dma_wait3A_345 = tpu.memref_squeeze %dma_wait3A_344 : memref<1x8192xf32, #tpu.memory_space<hbm>> -> memref<8192xf32, #tpu.memory_space<hbm>>
    tpu.wait_dma2 semaphore(%arg26 : memref<!tpu.dma_semaphore, #tpu.memory_space<semaphore_mem>>) src(%dma_wait3A_345 : memref<8192xf32, #tpu.memory_space<hbm>>) dst(%arg17 : memref<8192xf32, #tpu.memory_space<vmem>>)
    %add3A_346 = arith.constant 24576 : i32
    %add3A_347 = arith.addi %mul3A_2, %add3A_346 : i32
    %dma_start3A_348 = arith.constant 0 : i32
    %dma_start3A_349 = tpu.memref_slice %arg6[%dma_start3A_348, %add3A_347] : memref<6x1048576xf32, #tpu.memory_space<hbm>> -> memref<1x8192xf32, #tpu.memory_space<hbm>>
    %dma_start3A_350 = tpu.memref_squeeze %dma_start3A_349 : memref<1x8192xf32, #tpu.memory_space<hbm>> -> memref<8192xf32, #tpu.memory_space<hbm>>
    %dma_start3A_351 = tpu.memref_slice %arg6[%dma_start3A_348, %add3A_347] : memref<6x1048576xf32, #tpu.memory_space<hbm>> -> memref<1x8192xf32, #tpu.memory_space<hbm>>
    %dma_start3A_352 = tpu.memref_squeeze %dma_start3A_351 : memref<1x8192xf32, #tpu.memory_space<hbm>> -> memref<8192xf32, #tpu.memory_space<hbm>>
    tpu.enqueue_dma source(%arg14 : memref<8192xf32, #tpu.memory_space<vmem>>) target(%dma_start3A_352 : memref<8192xf32, #tpu.memory_space<hbm>>) target_semaphore(%arg28 : memref<!tpu.dma_semaphore, #tpu.memory_space<semaphore_mem>>)
    %dma_start3A_353 = arith.constant 1 : i32
    %dma_start3A_354 = tpu.memref_slice %arg6[%dma_start3A_353, %add3A_347] : memref<6x1048576xf32, #tpu.memory_space<hbm>> -> memref<1x8192xf32, #tpu.memory_space<hbm>>
    %dma_start3A_355 = tpu.memref_squeeze %dma_start3A_354 : memref<1x8192xf32, #tpu.memory_space<hbm>> -> memref<8192xf32, #tpu.memory_space<hbm>>
    %dma_start3A_356 = tpu.memref_slice %arg6[%dma_start3A_353, %add3A_347] : memref<6x1048576xf32, #tpu.memory_space<hbm>> -> memref<1x8192xf32, #tpu.memory_space<hbm>>
    %dma_start3A_357 = tpu.memref_squeeze %dma_start3A_356 : memref<1x8192xf32, #tpu.memory_space<hbm>> -> memref<8192xf32, #tpu.memory_space<hbm>>
    tpu.enqueue_dma source(%arg15 : memref<8192xf32, #tpu.memory_space<vmem>>) target(%dma_start3A_357 : memref<8192xf32, #tpu.memory_space<hbm>>) target_semaphore(%arg28 : memref<!tpu.dma_semaphore, #tpu.memory_space<semaphore_mem>>)
    %dma_start3A_358 = arith.constant 2 : i32
    %dma_start3A_359 = tpu.memref_slice %arg6[%dma_start3A_358, %add3A_347] : memref<6x1048576xf32, #tpu.memory_space<hbm>> -> memref<1x8192xf32, #tpu.memory_space<hbm>>
    %dma_start3A_360 = tpu.memref_squeeze %dma_start3A_359 : memref<1x8192xf32, #tpu.memory_space<hbm>> -> memref<8192xf32, #tpu.memory_space<hbm>>
    %dma_start3A_361 = tpu.memref_slice %arg6[%dma_start3A_358, %add3A_347] : memref<6x1048576xf32, #tpu.memory_space<hbm>> -> memref<1x8192xf32, #tpu.memory_space<hbm>>
    %dma_start3A_362 = tpu.memref_squeeze %dma_start3A_361 : memref<1x8192xf32, #tpu.memory_space<hbm>> -> memref<8192xf32, #tpu.memory_space<hbm>>
    tpu.enqueue_dma source(%arg16 : memref<8192xf32, #tpu.memory_space<vmem>>) target(%dma_start3A_362 : memref<8192xf32, #tpu.memory_space<hbm>>) target_semaphore(%arg28 : memref<!tpu.dma_semaphore, #tpu.memory_space<semaphore_mem>>)
    %parallel_loop3A_363 = arith.constant 0 : i32
    %parallel_loop3A_364 = arith.constant 512 : i32
    %parallel_loop3A_365 = arith.constant 1 : i32
    scf.for %parallel_loop3A_443 = %parallel_loop3A_363 to %parallel_loop3A_364 step %parallel_loop3A_365  : i32 {
      %parallel_loop3A_444 = arith.constant 16 : i32
      %parallel_loop3A_445 = arith.muli %parallel_loop3A_443, %parallel_loop3A_444 : i32
      %parallel_loop3A_446 = arith.index_cast %parallel_loop3A_445 : i32 to index
      %parallel_loop3A_447 = tpu.vector_load %arg17[%parallel_loop3A_446] {strides = array<i32>} : memref<8192xf32, #tpu.memory_space<vmem>>, vector<16xf32>,
      %parallel_loop3A_448 = arith.fptosi %parallel_loop3A_447 : vector<16xf32> to vector<16xi32>
      %parallel_loop3A_449 = arith.constant 0 : i32
      %parallel_loop3A_450 = arith.constant 255 : i32
      %parallel_loop3A_451 = vector.broadcast %parallel_loop3A_449 : i32 to vector<16xi32>
      %parallel_loop3A_452 = arith.maxsi %parallel_loop3A_451, %parallel_loop3A_448 : vector<16xi32>
      %parallel_loop3A_453 = vector.broadcast %parallel_loop3A_450 : i32 to vector<16xi32>
      %parallel_loop3A_454 = arith.minsi %parallel_loop3A_453, %parallel_loop3A_452 : vector<16xi32>
      %parallel_loop3A_455 = arith.constant 3 : i32
      %parallel_loop3A_456 = vector.broadcast %parallel_loop3A_455 : i32 to vector<16xi32>
      %parallel_loop3A_457 = arith.muli %parallel_loop3A_454, %parallel_loop3A_456 : vector<16xi32>
      %parallel_loop3A_458 = tpu.vector_load_idx %arg21[%parallel_loop3A_457] : memref<768xf32, #tpu.memory_space<vmem>>[vector<16xi32>], vector<16xf32>,
      %parallel_loop3A_459 = arith.index_cast %parallel_loop3A_445 : i32 to index
      %parallel_loop3A_460 = tpu.vector_load %arg18[%parallel_loop3A_459] {strides = array<i32>} : memref<8192xf32, #tpu.memory_space<vmem>>, vector<16xf32>,
      tpu.vector_store %arg18[%parallel_loop3A_459], %parallel_loop3A_458 {strides = array<i32>} : memref<8192xf32, #tpu.memory_space<vmem>>, vector<16xf32>,
      %parallel_loop3A_461 = arith.constant 1 : i32
      %parallel_loop3A_462 = vector.broadcast %parallel_loop3A_461 : i32 to vector<16xi32>
      %parallel_loop3A_463 = arith.addi %parallel_loop3A_457, %parallel_loop3A_462 : vector<16xi32>
      %parallel_loop3A_464 = tpu.vector_load_idx %arg21[%parallel_loop3A_463] : memref<768xf32, #tpu.memory_space<vmem>>[vector<16xi32>], vector<16xf32>,
      %parallel_loop3A_465 = arith.index_cast %parallel_loop3A_445 : i32 to index
      %parallel_loop3A_466 = tpu.vector_load %arg19[%parallel_loop3A_465] {strides = array<i32>} : memref<8192xf32, #tpu.memory_space<vmem>>, vector<16xf32>,
      tpu.vector_store %arg19[%parallel_loop3A_465], %parallel_loop3A_464 {strides = array<i32>} : memref<8192xf32, #tpu.memory_space<vmem>>, vector<16xf32>,
      %parallel_loop3A_467 = arith.constant 2 : i32
      %parallel_loop3A_468 = vector.broadcast %parallel_loop3A_467 : i32 to vector<16xi32>
      %parallel_loop3A_469 = arith.addi %parallel_loop3A_457, %parallel_loop3A_468 : vector<16xi32>
      %parallel_loop3A_470 = tpu.vector_load_idx %arg21[%parallel_loop3A_469] : memref<768xf32, #tpu.memory_space<vmem>>[vector<16xi32>], vector<16xf32>,
      %parallel_loop3A_471 = arith.index_cast %parallel_loop3A_445 : i32 to index
      %parallel_loop3A_472 = tpu.vector_load %arg20[%parallel_loop3A_471] {strides = array<i32>} : memref<8192xf32, #tpu.memory_space<vmem>>, vector<16xf32>,
      tpu.vector_store %arg20[%parallel_loop3A_471], %parallel_loop3A_470 {strides = array<i32>} : memref<8192xf32, #tpu.memory_space<vmem>>, vector<16xf32>,
    } {sc.loop_unroll_factor = 4 : i64, sc.parallel_access}
    %add3A_366 = arith.constant 24576 : i32
    %add3A_367 = arith.addi %mul3A_2, %add3A_366 : i32
    %dma_start3A_368 = arith.constant 3 : i32
    %dma_start3A_369 = tpu.memref_slice %arg6[%dma_start3A_368, %add3A_367] : memref<6x1048576xf32, #tpu.memory_space<hbm>> -> memref<1x8192xf32, #tpu.memory_space<hbm>>
    %dma_start3A_370 = tpu.memref_squeeze %dma_start3A_369 : memref<1x8192xf32, #tpu.memory_space<hbm>> -> memref<8192xf32, #tpu.memory_space<hbm>>
    %dma_start3A_371 = tpu.memref_slice %arg6[%dma_start3A_368, %add3A_367] : memref<6x1048576xf32, #tpu.memory_space<hbm>> -> memref<1x8192xf32, #tpu.memory_space<hbm>>
    %dma_start3A_372 = tpu.memref_squeeze %dma_start3A_371 : memref<1x8192xf32, #tpu.memory_space<hbm>> -> memref<8192xf32, #tpu.memory_space<hbm>>
    tpu.enqueue_dma source(%arg18 : memref<8192xf32, #tpu.memory_space<vmem>>) target(%dma_start3A_372 : memref<8192xf32, #tpu.memory_space<hbm>>) target_semaphore(%arg28 : memref<!tpu.dma_semaphore, #tpu.memory_space<semaphore_mem>>)
    %dma_start3A_373 = arith.constant 4 : i32
    %dma_start3A_374 = tpu.memref_slice %arg6[%dma_start3A_373, %add3A_367] : memref<6x1048576xf32, #tpu.memory_space<hbm>> -> memref<1x8192xf32, #tpu.memory_space<hbm>>
    %dma_start3A_375 = tpu.memref_squeeze %dma_start3A_374 : memref<1x8192xf32, #tpu.memory_space<hbm>> -> memref<8192xf32, #tpu.memory_space<hbm>>
    %dma_start3A_376 = tpu.memref_slice %arg6[%dma_start3A_373, %add3A_367] : memref<6x1048576xf32, #tpu.memory_space<hbm>> -> memref<1x8192xf32, #tpu.memory_space<hbm>>
    %dma_start3A_377 = tpu.memref_squeeze %dma_start3A_376 : memref<1x8192xf32, #tpu.memory_space<hbm>> -> memref<8192xf32, #tpu.memory_space<hbm>>
    tpu.enqueue_dma source(%arg19 : memref<8192xf32, #tpu.memory_space<vmem>>) target(%dma_start3A_377 : memref<8192xf32, #tpu.memory_space<hbm>>) target_semaphore(%arg28 : memref<!tpu.dma_semaphore, #tpu.memory_space<semaphore_mem>>)
    %dma_start3A_378 = arith.constant 5 : i32
    %dma_start3A_379 = tpu.memref_slice %arg6[%dma_start3A_378, %add3A_367] : memref<6x1048576xf32, #tpu.memory_space<hbm>> -> memref<1x8192xf32, #tpu.memory_space<hbm>>
    %dma_start3A_380 = tpu.memref_squeeze %dma_start3A_379 : memref<1x8192xf32, #tpu.memory_space<hbm>> -> memref<8192xf32, #tpu.memory_space<hbm>>
    %dma_start3A_381 = tpu.memref_slice %arg6[%dma_start3A_378, %add3A_367] : memref<6x1048576xf32, #tpu.memory_space<hbm>> -> memref<1x8192xf32, #tpu.memory_space<hbm>>
    %dma_start3A_382 = tpu.memref_squeeze %dma_start3A_381 : memref<1x8192xf32, #tpu.memory_space<hbm>> -> memref<8192xf32, #tpu.memory_space<hbm>>
    tpu.enqueue_dma source(%arg20 : memref<8192xf32, #tpu.memory_space<vmem>>) target(%dma_start3A_382 : memref<8192xf32, #tpu.memory_space<hbm>>) target_semaphore(%arg28 : memref<!tpu.dma_semaphore, #tpu.memory_space<semaphore_mem>>)
    %dma_wait3A_383 = arith.constant 0 : i32
    %dma_wait3A_384 = tpu.memref_slice %arg6[%dma_wait3A_383, %add3A_290] : memref<6x1048576xf32, #tpu.memory_space<hbm>> -> memref<1x8192xf32, #tpu.memory_space<hbm>>
    %dma_wait3A_385 = tpu.memref_squeeze %dma_wait3A_384 : memref<1x8192xf32, #tpu.memory_space<hbm>> -> memref<8192xf32, #tpu.memory_space<hbm>>
    %dma_wait3A_386 = tpu.memref_slice %arg6[%dma_wait3A_383, %add3A_290] : memref<6x1048576xf32, #tpu.memory_space<hbm>> -> memref<1x8192xf32, #tpu.memory_space<hbm>>
    %dma_wait3A_387 = tpu.memref_squeeze %dma_wait3A_386 : memref<1x8192xf32, #tpu.memory_space<hbm>> -> memref<8192xf32, #tpu.memory_space<hbm>>
    tpu.wait_dma2 semaphore(%arg27 : memref<!tpu.dma_semaphore, #tpu.memory_space<semaphore_mem>>) src(%arg7 : memref<8192xf32, #tpu.memory_space<vmem>>) dst(%dma_wait3A_387 : memref<8192xf32, #tpu.memory_space<hbm>>)
    %dma_wait3A_388 = arith.constant 1 : i32
    %dma_wait3A_389 = tpu.memref_slice %arg6[%dma_wait3A_388, %add3A_290] : memref<6x1048576xf32, #tpu.memory_space<hbm>> -> memref<1x8192xf32, #tpu.memory_space<hbm>>
    %dma_wait3A_390 = tpu.memref_squeeze %dma_wait3A_389 : memref<1x8192xf32, #tpu.memory_space<hbm>> -> memref<8192xf32, #tpu.memory_space<hbm>>
    %dma_wait3A_391 = tpu.memref_slice %arg6[%dma_wait3A_388, %add3A_290] : memref<6x1048576xf32, #tpu.memory_space<hbm>> -> memref<1x8192xf32, #tpu.memory_space<hbm>>
    %dma_wait3A_392 = tpu.memref_squeeze %dma_wait3A_391 : memref<1x8192xf32, #tpu.memory_space<hbm>> -> memref<8192xf32, #tpu.memory_space<hbm>>
    tpu.wait_dma2 semaphore(%arg27 : memref<!tpu.dma_semaphore, #tpu.memory_space<semaphore_mem>>) src(%arg8 : memref<8192xf32, #tpu.memory_space<vmem>>) dst(%dma_wait3A_392 : memref<8192xf32, #tpu.memory_space<hbm>>)
    %dma_wait3A_393 = arith.constant 2 : i32
    %dma_wait3A_394 = tpu.memref_slice %arg6[%dma_wait3A_393, %add3A_290] : memref<6x1048576xf32, #tpu.memory_space<hbm>> -> memref<1x8192xf32, #tpu.memory_space<hbm>>
    %dma_wait3A_395 = tpu.memref_squeeze %dma_wait3A_394 : memref<1x8192xf32, #tpu.memory_space<hbm>> -> memref<8192xf32, #tpu.memory_space<hbm>>
    %dma_wait3A_396 = tpu.memref_slice %arg6[%dma_wait3A_393, %add3A_290] : memref<6x1048576xf32, #tpu.memory_space<hbm>> -> memref<1x8192xf32, #tpu.memory_space<hbm>>
    %dma_wait3A_397 = tpu.memref_squeeze %dma_wait3A_396 : memref<1x8192xf32, #tpu.memory_space<hbm>> -> memref<8192xf32, #tpu.memory_space<hbm>>
    tpu.wait_dma2 semaphore(%arg27 : memref<!tpu.dma_semaphore, #tpu.memory_space<semaphore_mem>>) src(%arg9 : memref<8192xf32, #tpu.memory_space<vmem>>) dst(%dma_wait3A_397 : memref<8192xf32, #tpu.memory_space<hbm>>)
    %dma_wait3A_398 = arith.constant 3 : i32
    %dma_wait3A_399 = tpu.memref_slice %arg6[%dma_wait3A_398, %add3A_310] : memref<6x1048576xf32, #tpu.memory_space<hbm>> -> memref<1x8192xf32, #tpu.memory_space<hbm>>
    %dma_wait3A_400 = tpu.memref_squeeze %dma_wait3A_399 : memref<1x8192xf32, #tpu.memory_space<hbm>> -> memref<8192xf32, #tpu.memory_space<hbm>>
    %dma_wait3A_401 = tpu.memref_slice %arg6[%dma_wait3A_398, %add3A_310] : memref<6x1048576xf32, #tpu.memory_space<hbm>> -> memref<1x8192xf32, #tpu.memory_space<hbm>>
    %dma_wait3A_402 = tpu.memref_squeeze %dma_wait3A_401 : memref<1x8192xf32, #tpu.memory_space<hbm>> -> memref<8192xf32, #tpu.memory_space<hbm>>
    tpu.wait_dma2 semaphore(%arg27 : memref<!tpu.dma_semaphore, #tpu.memory_space<semaphore_mem>>) src(%arg11 : memref<8192xf32, #tpu.memory_space<vmem>>) dst(%dma_wait3A_402 : memref<8192xf32, #tpu.memory_space<hbm>>)
    %dma_wait3A_403 = arith.constant 4 : i32
    %dma_wait3A_404 = tpu.memref_slice %arg6[%dma_wait3A_403, %add3A_310] : memref<6x1048576xf32, #tpu.memory_space<hbm>> -> memref<1x8192xf32, #tpu.memory_space<hbm>>
    %dma_wait3A_405 = tpu.memref_squeeze %dma_wait3A_404 : memref<1x8192xf32, #tpu.memory_space<hbm>> -> memref<8192xf32, #tpu.memory_space<hbm>>
    %dma_wait3A_406 = tpu.memref_slice %arg6[%dma_wait3A_403, %add3A_310] : memref<6x1048576xf32, #tpu.memory_space<hbm>> -> memref<1x8192xf32, #tpu.memory_space<hbm>>
    %dma_wait3A_407 = tpu.memref_squeeze %dma_wait3A_406 : memref<1x8192xf32, #tpu.memory_space<hbm>> -> memref<8192xf32, #tpu.memory_space<hbm>>
    tpu.wait_dma2 semaphore(%arg27 : memref<!tpu.dma_semaphore, #tpu.memory_space<semaphore_mem>>) src(%arg12 : memref<8192xf32, #tpu.memory_space<vmem>>) dst(%dma_wait3A_407 : memref<8192xf32, #tpu.memory_space<hbm>>)
    %dma_wait3A_408 = arith.constant 5 : i32
    %dma_wait3A_409 = tpu.memref_slice %arg6[%dma_wait3A_408, %add3A_310] : memref<6x1048576xf32, #tpu.memory_space<hbm>> -> memref<1x8192xf32, #tpu.memory_space<hbm>>
    %dma_wait3A_410 = tpu.memref_squeeze %dma_wait3A_409 : memref<1x8192xf32, #tpu.memory_space<hbm>> -> memref<8192xf32, #tpu.memory_space<hbm>>
    %dma_wait3A_411 = tpu.memref_slice %arg6[%dma_wait3A_408, %add3A_310] : memref<6x1048576xf32, #tpu.memory_space<hbm>> -> memref<1x8192xf32, #tpu.memory_space<hbm>>
    %dma_wait3A_412 = tpu.memref_squeeze %dma_wait3A_411 : memref<1x8192xf32, #tpu.memory_space<hbm>> -> memref<8192xf32, #tpu.memory_space<hbm>>
    tpu.wait_dma2 semaphore(%arg27 : memref<!tpu.dma_semaphore, #tpu.memory_space<semaphore_mem>>) src(%arg13 : memref<8192xf32, #tpu.memory_space<vmem>>) dst(%dma_wait3A_412 : memref<8192xf32, #tpu.memory_space<hbm>>)
    %dma_wait3A_413 = arith.constant 0 : i32
    %dma_wait3A_414 = tpu.memref_slice %arg6[%dma_wait3A_413, %add3A_347] : memref<6x1048576xf32, #tpu.memory_space<hbm>> -> memref<1x8192xf32, #tpu.memory_space<hbm>>
    %dma_wait3A_415 = tpu.memref_squeeze %dma_wait3A_414 : memref<1x8192xf32, #tpu.memory_space<hbm>> -> memref<8192xf32, #tpu.memory_space<hbm>>
    %dma_wait3A_416 = tpu.memref_slice %arg6[%dma_wait3A_413, %add3A_347] : memref<6x1048576xf32, #tpu.memory_space<hbm>> -> memref<1x8192xf32, #tpu.memory_space<hbm>>
    %dma_wait3A_417 = tpu.memref_squeeze %dma_wait3A_416 : memref<1x8192xf32, #tpu.memory_space<hbm>> -> memref<8192xf32, #tpu.memory_space<hbm>>
    tpu.wait_dma2 semaphore(%arg28 : memref<!tpu.dma_semaphore, #tpu.memory_space<semaphore_mem>>) src(%arg14 : memref<8192xf32, #tpu.memory_space<vmem>>) dst(%dma_wait3A_417 : memref<8192xf32, #tpu.memory_space<hbm>>)
    %dma_wait3A_418 = arith.constant 1 : i32
    %dma_wait3A_419 = tpu.memref_slice %arg6[%dma_wait3A_418, %add3A_347] : memref<6x1048576xf32, #tpu.memory_space<hbm>> -> memref<1x8192xf32, #tpu.memory_space<hbm>>
    %dma_wait3A_420 = tpu.memref_squeeze %dma_wait3A_419 : memref<1x8192xf32, #tpu.memory_space<hbm>> -> memref<8192xf32, #tpu.memory_space<hbm>>
    %dma_wait3A_421 = tpu.memref_slice %arg6[%dma_wait3A_418, %add3A_347] : memref<6x1048576xf32, #tpu.memory_space<hbm>> -> memref<1x8192xf32, #tpu.memory_space<hbm>>
    %dma_wait3A_422 = tpu.memref_squeeze %dma_wait3A_421 : memref<1x8192xf32, #tpu.memory_space<hbm>> -> memref<8192xf32, #tpu.memory_space<hbm>>
    tpu.wait_dma2 semaphore(%arg28 : memref<!tpu.dma_semaphore, #tpu.memory_space<semaphore_mem>>) src(%arg15 : memref<8192xf32, #tpu.memory_space<vmem>>) dst(%dma_wait3A_422 : memref<8192xf32, #tpu.memory_space<hbm>>)
    %dma_wait3A_423 = arith.constant 2 : i32
    %dma_wait3A_424 = tpu.memref_slice %arg6[%dma_wait3A_423, %add3A_347] : memref<6x1048576xf32, #tpu.memory_space<hbm>> -> memref<1x8192xf32, #tpu.memory_space<hbm>>
    %dma_wait3A_425 = tpu.memref_squeeze %dma_wait3A_424 : memref<1x8192xf32, #tpu.memory_space<hbm>> -> memref<8192xf32, #tpu.memory_space<hbm>>
    %dma_wait3A_426 = tpu.memref_slice %arg6[%dma_wait3A_423, %add3A_347] : memref<6x1048576xf32, #tpu.memory_space<hbm>> -> memref<1x8192xf32, #tpu.memory_space<hbm>>
    %dma_wait3A_427 = tpu.memref_squeeze %dma_wait3A_426 : memref<1x8192xf32, #tpu.memory_space<hbm>> -> memref<8192xf32, #tpu.memory_space<hbm>>
    tpu.wait_dma2 semaphore(%arg28 : memref<!tpu.dma_semaphore, #tpu.memory_space<semaphore_mem>>) src(%arg16 : memref<8192xf32, #tpu.memory_space<vmem>>) dst(%dma_wait3A_427 : memref<8192xf32, #tpu.memory_space<hbm>>)
    %dma_wait3A_428 = arith.constant 3 : i32
    %dma_wait3A_429 = tpu.memref_slice %arg6[%dma_wait3A_428, %add3A_367] : memref<6x1048576xf32, #tpu.memory_space<hbm>> -> memref<1x8192xf32, #tpu.memory_space<hbm>>
    %dma_wait3A_430 = tpu.memref_squeeze %dma_wait3A_429 : memref<1x8192xf32, #tpu.memory_space<hbm>> -> memref<8192xf32, #tpu.memory_space<hbm>>
    %dma_wait3A_431 = tpu.memref_slice %arg6[%dma_wait3A_428, %add3A_367] : memref<6x1048576xf32, #tpu.memory_space<hbm>> -> memref<1x8192xf32, #tpu.memory_space<hbm>>
    %dma_wait3A_432 = tpu.memref_squeeze %dma_wait3A_431 : memref<1x8192xf32, #tpu.memory_space<hbm>> -> memref<8192xf32, #tpu.memory_space<hbm>>
    tpu.wait_dma2 semaphore(%arg28 : memref<!tpu.dma_semaphore, #tpu.memory_space<semaphore_mem>>) src(%arg18 : memref<8192xf32, #tpu.memory_space<vmem>>) dst(%dma_wait3A_432 : memref<8192xf32, #tpu.memory_space<hbm>>)
    %dma_wait3A_433 = arith.constant 4 : i32
    %dma_wait3A_434 = tpu.memref_slice %arg6[%dma_wait3A_433, %add3A_367] : memref<6x1048576xf32, #tpu.memory_space<hbm>> -> memref<1x8192xf32, #tpu.memory_space<hbm>>
    %dma_wait3A_435 = tpu.memref_squeeze %dma_wait3A_434 : memref<1x8192xf32, #tpu.memory_space<hbm>> -> memref<8192xf32, #tpu.memory_space<hbm>>
    %dma_wait3A_436 = tpu.memref_slice %arg6[%dma_wait3A_433, %add3A_367] : memref<6x1048576xf32, #tpu.memory_space<hbm>> -> memref<1x8192xf32, #tpu.memory_space<hbm>>
    %dma_wait3A_437 = tpu.memref_squeeze %dma_wait3A_436 : memref<1x8192xf32, #tpu.memory_space<hbm>> -> memref<8192xf32, #tpu.memory_space<hbm>>
    tpu.wait_dma2 semaphore(%arg28 : memref<!tpu.dma_semaphore, #tpu.memory_space<semaphore_mem>>) src(%arg19 : memref<8192xf32, #tpu.memory_space<vmem>>) dst(%dma_wait3A_437 : memref<8192xf32, #tpu.memory_space<hbm>>)
    %dma_wait3A_438 = arith.constant 5 : i32
    %dma_wait3A_439 = tpu.memref_slice %arg6[%dma_wait3A_438, %add3A_367] : memref<6x1048576xf32, #tpu.memory_space<hbm>> -> memref<1x8192xf32, #tpu.memory_space<hbm>>
    %dma_wait3A_440 = tpu.memref_squeeze %dma_wait3A_439 : memref<1x8192xf32, #tpu.memory_space<hbm>> -> memref<8192xf32, #tpu.memory_space<hbm>>
    %dma_wait3A_441 = tpu.memref_slice %arg6[%dma_wait3A_438, %add3A_367] : memref<6x1048576xf32, #tpu.memory_space<hbm>> -> memref<1x8192xf32, #tpu.memory_space<hbm>>
    %dma_wait3A_442 = tpu.memref_squeeze %dma_wait3A_441 : memref<1x8192xf32, #tpu.memory_space<hbm>> -> memref<8192xf32, #tpu.memory_space<hbm>>
    tpu.wait_dma2 semaphore(%arg28 : memref<!tpu.dma_semaphore, #tpu.memory_space<semaphore_mem>>) src(%arg20 : memref<8192xf32, #tpu.memory_space<vmem>>) dst(%dma_wait3A_442 : memref<8192xf32, #tpu.memory_space<hbm>>)
    return
  }
}

</mosaic_0001>

<sc_bundles>
// kernel: kernel.3.cloned.1.call-start
scs
__scs_entry_jumppad:
0x0: {  	(pc) =	sbr.rel $0x88, $3  }
0x1: {  	(tag) =	ssettag $0x0;
	lr =	simm.s32 $0x1  }
0x2: {  	[smem:$0x3F9D] =	sst lr;
	_ =	strace $0xD0000000  }
0x3: {  	_ = 	snop  }
0x4: {  	_ = 	snop  }
0x5: {  	_ = 	snop  }
0x6: {  	_ = 	snop  }
0x7: {  	_ = 	snop  }
__scs_overlays_trampoline_lowered:
0x8: {  	[smem:$0x3FAC] =	sst s0  }
0x9: {  	[smem:$0x3FAD] =	sst s1  }
0xa: {  	[smem:$0x3FAE] =	sst s2  }
0xb: {  	[smem:$0x3FAF] =	sst s3  }
0xc: {  	[smem:$0x3FB0] =	sst s4  }
0xd: {  	[smem:$0x3FB1] =	sst s5  }
0xe: {  	[smem:$0x3FB2] =	sst s6  }
0xf: {  	[smem:$0x3FB3] =	sst s7  }
0x10: {  	[smem:$0x3FB4] =	sst s8  }
0x11: {  	[smem:$0x3FB5] =	sst s9;
	s0 =	simm.s32 @!p0 $0x0  }
0x12: {  	s1 =	sld [smem:$0x3F9B];
	s0 =	simm.s32 @p0 $0x1  }
0x13: {  	[smem:$0x3FB6] =	sst s0;
	s0 =	simm.s32 @!p1 $0x0  }
0x14: {  	s2 =	sld [smem:$0x3F9A];
	s0 =	simm.s32 @p1 $0x1  }
0x15: {  	[smem:$0x3FB7] =	sst s0;
	s0 =	simm.s32 @!p2 $0x0  }
0x16: {  	s3 =	sld [smem:$0x3FDB];
	s0 =	simm.s32 @p2 $0x1  }
0x17: {  	s4 =	simm.s32 $0x1BF5;
	[smem:$0x3FB9] =	sst s0  }
0x18: {  	s0 =	sld [smem:$0x3F9C];
	_ =	swait.ge [sflag:s4], $0x0  }
0x19: {  	s7 =	sld [smem:$0x3F9D]  }
0x1a: {  	s8 =	sadd.s32 $0xFFFFE003, lr  }
0x1b: {  	s9 =	sadd.s32 $0xFFFFFEF7, lr;
	s5 =	simm.s32 $0xFFFFFFFF;
	p2 =	slt.u32 s8, $0xFFFFF086  }
0x1c: {  	p1 =	slt.u32 s9, $0xF7A;
	s5 =	simm.s32 @!p2 $0x0  }
0x1d: {  	s5 =	simm.s32 @p1 $0x1;
	p0 =	seq.s32 s7, s2  }
0x1e: {  	s7 =	smul.u32 @!p0 $0xF7A, s2;
	p2 =	seq.s32 @!p0 s5, $0x0  }
0x1f: {  	s9 =	smul.u32 $0xF7A, s1;
	s8 =	simm.s32 @!p0 $0x1BF5;
	p2 =	por !p2, p0  }
0x20: {  	[sflag:s8] =	ssyncset.s32 @!p0 $0xFFFFF086;
	s6 =	sadd.s32 @!p0 s3, s7;
	s7 =	simm.s32 @!p0 $0x108  }
0x21: {  	s3 =	sadd.s32 s3, s9;
	s6 =	sadd.s32 @!p0 $0x88, s6;
	s7 =	simm.s32 @p2 $0x1082  }
0x22: {  	[simem:s7], [sflag:s8] =	dma.local @!p0 [hbm:s6], $0xF7A  }
0x23: {  	s9 =	sor.u32 $0xD0000000, s2;
	s6 =	simm.s32 $0x108;
	_ =	swait.ge @!p0 [sflag:s8], $0x0  }
0x24: {  	s3 =	sadd.s32 $0x88, s3;
	s6 =	simm.s32 @!p1 $0x1082;
	[sflag:s4] =	ssyncset.s32 $0xFFFFF086  }
0x25: {  	[simem:s6], [sflag:s4] =	dma.local [hbm:s3], $0xF7A  }
0x26: {  	[smem:$0x3F9D] =	sst s1;
	(tag) =	ssettag s2;
	_ =	strace s9  }
0x27: {  	s1 =	sld [smem:$0x3FAD]  }
0x28: {  	s2 =	sld [smem:$0x3FAE]  }
0x29: {  	s4 =	sld [smem:$0x3FB0]  }
0x2a: {  	p0 =	seq.s32 s5, $0x0;
	s5 =	sld [smem:$0x3FB1]  }
0x2b: {  	s6 =	sld [smem:$0x3FB2]  }
0x2c: {  	s7 =	sld [smem:$0x3FB3]  }
0x2d: {  	s3 =	simm.s32 $0x108;
	s8 =	sld [smem:$0x3FB4]  }
0x2e: {  	s3 =	simm.s32 @!p0 $0x1082;
	s9 =	sld [smem:$0x3FB5]  }
0x2f: {  	lr =	sadd.s32 s0, s3;
	s0 =	sld [smem:$0x3FAC]  }
0x30: {  	s3 =	sld [smem:$0x3FAF]  }
0x31: {  	[smem:$0x3FB8] =	sst s10  }
0x32: {  	s10 =	sld [smem:$0x3FB6];
	_ =	sdelay $0x3  }
0x33: {  	p0 =	seq.s32 s10, $0x1;
	s10 =	sld [smem:$0x3FB8];
	_ =	sdelay $0x3  }
0x34: {  	[smem:$0x3FB8] =	sst s10  }
0x35: {  	s10 =	sld [smem:$0x3FB7];
	_ =	sdelay $0x3  }
0x36: {  	p1 =	seq.s32 s10, $0x1;
	s10 =	sld [smem:$0x3FB8];
	_ =	sdelay $0x3  }
0x37: {  	[smem:$0x3FB8] =	sst s10  }
0x38: {  	s10 =	sld [smem:$0x3FB9]  }
0x39: {  	_ = 	snop;
	(pc) =	sbr.ind lr, $3  }
0x3a: {  	_ = 	snop  }
0x3b: {  	_ = 	snop  }
0x3c: {  	p2 =	seq.s32 s10, $0x1;
	s10 =	sld [smem:$0x3FB8]  }
0x3d: {  	_ =	shalt  }
0x3e: {  	_ =	shalt  }
0x3f: {  	_ =	shalt  }
0x40: {  	_ =	shalt  }
0x41: {  	_ =	shalt  }
0x42: {  	_ =	shalt  }
0x43: {  	_ =	shalt  }
0x44: {  	_ =	shalt  }
0x45: {  	_ =	shalt  }
0x46: {  	_ =	shalt  }
0x47: {  	_ =	shalt  }
0x48: {  	_ =	shalt  }
0x49: {  	_ =	shalt  }
0x4a: {  	_ =	shalt  }
0x4b: {  	_ =	shalt  }
0x4c: {  	_ =	shalt  }
0x4d: {  	_ =	shalt  }
0x4e: {  	_ =	shalt  }
0x4f: {  	_ =	shalt  }
0x50: {  	_ =	shalt  }
0x51: {  	_ =	shalt  }
0x52: {  	_ =	shalt  }
0x53: {  	_ =	shalt  }
0x54: {  	_ =	shalt  }
0x55: {  	_ =	shalt  }
0x56: {  	_ =	shalt  }
0x57: {  	_ =	shalt  }
0x58: {  	_ =	shalt  }
0x59: {  	_ =	shalt  }
0x5a: {  	_ =	shalt  }
0x5b: {  	_ =	shalt  }
0x5c: {  	_ =	shalt  }
0x5d: {  	_ =	shalt  }
0x5e: {  	_ =	shalt  }
0x5f: {  	_ =	shalt  }
0x60: {  	_ =	shalt  }
0x61: {  	_ =	shalt  }
0x62: {  	_ =	shalt  }
0x63: {  	_ =	shalt  }
0x64: {  	_ =	shalt  }
0x65: {  	_ =	shalt  }
0x66: {  	_ =	shalt  }
0x67: {  	_ =	shalt  }
0x68: {  	_ =	shalt  }
0x69: {  	_ =	shalt  }
0x6a: {  	_ =	shalt  }
0x6b: {  	_ =	shalt  }
0x6c: {  	_ =	shalt  }
0x6d: {  	_ =	shalt  }
0x6e: {  	_ =	shalt  }
0x6f: {  	_ =	shalt  }
0x70: {  	_ =	shalt  }
0x71: {  	_ =	shalt  }
0x72: {  	_ =	shalt  }
0x73: {  	_ =	shalt  }
0x74: {  	_ =	shalt  }
0x75: {  	_ =	shalt  }
0x76: {  	_ =	shalt  }
0x77: {  	_ =	shalt  }
0x78: {  	_ =	shalt  }
0x79: {  	_ =	shalt  }
0x7a: {  	_ =	shalt  }
0x7b: {  	_ =	shalt  }
0x7c: {  	_ =	shalt  }
0x7d: {  	_ =	shalt  }
0x7e: {  	_ =	shalt  }
0x7f: {  	_ =	shalt  }
0x80: {  	_ =	shalt  }
0x81: {  	_ =	shalt  }
0x82: {  	_ =	shalt  }
0x83: {  	_ =	shalt  }
0x84: {  	_ =	shalt  }
0x85: {  	_ =	shalt  }
0x86: {  	_ =	shalt  }
0x87: {  	_ =	shalt  }
.Lfunc_end0:
.L_simem_size_0:
called_computation_lowered:
.L_overlay_start_0:
0x88: {  	s2 =	sld [smem:$0x3FD9]  }
0x89: {  	s3 =	sld [smem:$0x3FFE];
	_ =	sdelay $0x1  }
0x8a: {  	s1 =	srdreg.scid  }
0x8b: {  	s0 =	sand.u32 $0x1, s1  }
0x8c: {  	s17 =	sshll.u32 s0, $0xA;
	s2 =	sadd.s32 s3, s2  }
0x8d: {  	s2 =	sadd.s32 s2, s17  }
0x8e: {  	[smem:$0x3FC4] =	sst s2  }
0x8f: {  	_ = 	snop  }
0x90: {  	s2 =	sld [smem:$0x3FC9]  }
0x91: {  	s18 =	sld [smem:$0x3FD0];
	(tm) =	ssettm $0x1  }
0x92: {  	s4 =	sld [smem:$0x3FFB];
	_ =	sdelay $0x3  }
0x93: {  	_ =	strace s4  }
0x94: {  	s4 =	sld [smem:$0x3FFC];
	_ =	sdelay $0x3  }
0x95: {  	_ =	strace s4  }
0x96: {  	s4 =	sld [smem:$0x3FFD];
	_ =	sdelay $0x3  }
0x97: {  	_ =	strace s4  }
0x98: {  	_ =	strace $0x8FFFFFFF  }
0x99: {  	s19 =	sld [smem:$0x3FDB];
	_ =	sdelay $0x1  }
0x9a: {  	s5 =	simm.s32 $_scs_section_size  }
0x9b: {  	s6 =	simm.s32 $_size__tile_overlayer_lowered;
	s7 =	simm.s32 $_tile_overlayer_lowered  }
0x9c: {  	s22 =	simm.s32 $0x1BFF;
	s21 =	sshll.u32 s7, $0x1;
	s4 =	sadd.s32 s5, s19  }
0x9d: {  	s8 =	simm.s32 $0x0;
	s20 =	sshll.u32 s6, $0x1;
	s6 =	sadd.s32 s21, s4  }
0x9e: {  	[timem:s8], [sflag:s22] =	dma.local [hbm:s6], s20  }
0x9f: {  	_ =	swait.ge [sflag:s22], s20  }
0xa0: {  	s5 =	ssub.s32 $0x0, s20;
	[sflag:s22] =	ssyncset.done $0x0  }
0xa1: {  	[sflag:s22] =	ssyncadd.s32 s5;
	_ =	sdelay $0x1  }
0xa2: {  	s23 =	simm.s32 $0x1B8B  }
0xa3: {  	_ =	swait.ge [sflag:s23], $0x1  }
0xa4: {  	[sflag:s23] =	ssyncset.done $0x0  }
0xa5: {  	s25 =	simm.s32 $0x1B8E;
	s24 =	sld [smem:$0x3FFE];
	[sflag:s23] =	ssyncadd.s32 $0xFFFFFFFF  }
0xa6: {  	s26 =	simm.s32 $execute0_lowered;
	[smem:$0x3FD2] =	sst s25  }
0xa7: {  	s6 =	sshll.u32 s26, $0x1;
	_ =	strace $0x80000046;
	[dreg:$0x1] =	wrdreg $0xFFFFFFFF  }
0xa8: {  	s28 =	simm.s32 $_size_execute0_lowered;
	s4 =	sadd.s32 s4, s6;
	[dreg:$0x0] =	wrdreg $0x0  }
0xa9: {  	s6 =	sshll.u32 s28, $0x1;
	[dreg:$0x2] =	wrdreg s4  }
0xaa: {  	[dreg:$0x3] =	wrdreg s6  }
0xab: {  	[dreg:$0x4] =	wrdreg $0xC0  }
0xac: {  	_ =	task [dreg:s8], $0x5FFFF  }
0xad: {  	[dreg:$0x1] =	wrdreg $0xFFFFFFFF  }
0xae: {  	[dreg:$0x0] =	wrdreg $0x60  }
0xaf: {  	[dreg:$0x2] =	wrdreg s2  }
0xb0: {  	[dreg:$0x3] =	wrdreg s24  }
0xb1: {  	[dreg:$0x4] =	wrdreg s18  }
0xb2: {  	[dreg:$0x5] =	wrdreg $0x9  }
0xb3: {  	_ =	task.clear_ibuf [dreg:s8], $0x6FFFF;
	_ =	strace $0x90000046  }
0xb4: {  	s29 =	simm.s32 $0x9;
	_ =	strace $0x80000048  }
0xb5: {  	_ =	swait.ge [sflag:s29], $0x1  }
0xb6: {  	[sflag:s29] =	ssyncadd.s32 $0xFFFFFFFF  }
0xb7: {  	_ =	strace $0x90000048  }
0xb8: {  	_ =	sfence  }
0xb9: {  	s30 =	sld [smem:$0x0];
	_ =	sdelay $0x2  }
0xba: {  	s31 =	sshll.u32 s1, $0xD;
	s1 =	sshrl.u32 s1, $0x2  }
0xbb: {  	s3 =	sand.u32 $0x4000, s31;
	s1 =	sadd.s32 s1, s30  }
0xbc: {  	s0 =	sor.u32 s3, s0;
	s1 =	sshll.u32 s1, $0x11  }
0xbd: {  	s0 =	sor.u32 s1, s0  }
0xbe: {  	s0 =	sadd.s32 $0x8F2B, s0  }
0xbf: {  	[sflag:s0] =	ssyncadd.remote.s32 $0x1  }
0xc0: {  	_ =	sfence.sel $0xFFFF  }
0xc1: {  	[dreg:$0x0] =	wrdreg $0xFFFFFFFF;
	(pc) =	sbr.abs _section_cstart, $3  }
0xc2: {  	[dreg:$0x1] =	wrdreg $0xFFFFFFFF  }
0xc3: {  	_ =	task.clear_ibuf [dreg:s8], $0x2FFFF;
	_ =	strace $0x9FFFFFFF  }
0xc4: {  	(tm) =	ssettm $0x7FFFFFFF  }
0xc5: {  	_ =	shalt  }
tec
execute0_lowered:
.L_overlay_start_1:
0x0: {  	(tag) =	ssettag $0x1  }
0x1: {  	s0 =	srdreg.scid  }
0x2: {  	s1 =	stileid.u32;
	s0 =	sand.u32 $0x1, s0  }
0x3: {  	s2 =	rddreg [dreg:$0x0];
	s4 =	sshll.u32 s1, $0x10;
	s5 =	sshll.u32 s0, $0xF  }
0x4: {  	s3 =	rddreg [dreg:$0x2];
	s1 =	simm.s32 $0x0;
	s4 =	sor.u32 s5, s4  }
0x5: {  	[smem:$0x7FF] =	sst s1;
	s6 =	sor.u32 $0x10, s4;
	s21 =	sadd.s32 s2, s4  }
0x6: {  	s23 =	sor.u32 $0x20, s4;
	[dreg:$0x4] =	wrdreg s21;
	s22 =	sadd.s32 s2, s6  }
0x7: {  	s7 =	sor.u32 $0x30, s4;
	s9 =	sadd.s32 s2, s23;
	[dreg:$0x5] =	wrdreg s22  }
0x8: {  	s8 =	sor.u32 $0x2000, s4;
	s24 =	sadd.s32 s2, s7;
	[dreg:$0x6] =	wrdreg s9  }
0x9: {  	s26 =	sor.u32 $0x2010, s4;
	s25 =	sadd.s32 s2, s8;
	[dreg:$0x7] =	wrdreg s24  }
0xa: {  	s11 =	sor.u32 $0x2020, s4;
	s10 =	sadd.s32 s2, s26;
	[dreg:$0x8] =	wrdreg s25  }
0xb: {  	s12 =	sor.u32 $0x2030, s4;
	s31 =	sadd.s32 s2, s11;
	[dreg:$0x9] =	wrdreg s10  }
0xc: {  	s13 =	sadd.s32 s2, s12;
	[dreg:$0xa] =	wrdreg s31  }
0xd: {  	s6 =	sadd.s32 s3, s6;
	[dreg:$0xb] =	wrdreg s13  }
0xe: {  	s5 =	sadd.s32 s3, s23;
	[dreg:$0xc] =	wrdreg s6  }
0xf: {  	s14 =	sadd.s32 s3, s7;
	[dreg:$0xd] =	wrdreg s5  }
0x10: {  	s0 =	ssub.s32 $0x2, s0;
	s8 =	sadd.s32 s3, s8;
	[dreg:$0xe] =	wrdreg s14  }
0x11: {  	s20 =	sshrl.u32 s0, $0x1;
	s17 =	sadd.s32 s3, s26;
	[dreg:$0xf] =	wrdreg s8  }
0x12: {  	s0 =	ssub.s32 s0, s20;
	s18 =	sadd.s32 s3, s11;
	[dreg:$0x10] =	wrdreg s17  }
0x13: {  	s16 =	sor.u32 $0x4010, s4;
	s19 =	sadd.s32 s3, s12;
	[dreg:$0x11] =	wrdreg s18  }
0x14: {  	s20 =	sor.u32 $0x6000, s4;
	s23 =	sadd.s32 s2, s16;
	[dreg:$0x12] =	wrdreg s19  }
0x15: {  	s28 =	simm.s32 $0x1;
	s26 =	sadd.s32 s2, s20;
	[dreg:$0x14] =	wrdreg s23  }
0x16: {  	s30 =	simm.s32 $0x1C000;
	s16 =	sadd.s32 s3, s16;
	[dreg:$0x17] =	wrdreg s26  }
0x17: {  	s15 =	sor.u32 $0x4000, s4;
	s7 =	sor.u32 $0x4020, s4;
	[dreg:$0x1c] =	wrdreg s16  }
0x18: {  	s22 =	sadd.s32 s2, s15;
	s19 =	sadd.s32 s3, s20;
	s20 =	rddreg [dreg:$0x1]  }
0x19: {  	s21 =	sor.u32 $0x6010, s4;
	s24 =	sadd.s32 s2, s7;
	[dreg:$0x13] =	wrdreg s22  }
0x1a: {  	s11 =	sor.u32 $0x6020, s4;
	s31 =	sadd.s32 s2, s21;
	[dreg:$0x15] =	wrdreg s24  }
0x1b: {  	s29 =	simm.s32 $0xA000;
	s14 =	sadd.s32 s2, s11;
	[dreg:$0x18] =	wrdreg s31  }
0x1c: {  	s0 =	smax.u32 s0, $0x1;
	s15 =	sadd.s32 s3, s15;
	[dreg:$0x19] =	wrdreg s14  }
0x1d: {  	s10 =	sadd.s32 s3, s4;
	s17 =	sadd.s32 s3, s7;
	[dreg:$0x1b] =	wrdreg s15  }
0x1e: {  	s13 =	sor.u32 $0x4030, s4;
	s4 =	sor.u32 $0x6030, s4;
	[dreg:$0x1d] =	wrdreg s17  }
0x1f: {  	s21 =	sadd.s32 s3, s21;
	s5 =	simm.s32 $0x1A000;
	[dreg:$0x1f] =	wrdreg s19  }
0x20: {  	s6 =	simm.s32 $0x4;
	s25 =	sadd.s32 s2, s13;
	[smem:$0x7F4] =	sst s21  }
0x21: {  	s2 =	sadd.s32 s2, s4;
	s18 =	sadd.s32 s3, s13;
	[dreg:$0x16] =	wrdreg s25  }
0x22: {  	s22 =	sadd.s32 s3, s11;
	s3 =	sadd.s32 s3, s4;
	[dreg:$0x1a] =	wrdreg s2  }
0x23: {  	s23 =	sadd.s32 $0x400, s20;
	s24 =	sadd.s32 $0x600, s20;
	[dreg:$0x1e] =	wrdreg s18  }
0x24: {  	s26 =	sadd.s32 $0x50, s10;
	s31 =	sadd.s32 $0x2040, s10;
	[smem:$0x7F5] =	sst s22  }
0x25: {  	s12 =	sadd.s32 $0x2050, s10;
	s13 =	sadd.s32 $0x4040, s10;
	[smem:$0x7F6] =	sst s3  }
0x26: {  	s14 =	sadd.s32 $0x4050, s10;
	_ =	strace $0x80000047;
	[smem:$0x7F7] =	sst s23  }
0x27: {  	s15 =	sadd.s32 $0x6040, s10;
	s2 =	sadd.s32 $0x800, s20;
	[smem:$0x7F8] =	sst s24  }
0x28: {  	s16 =	sadd.s32 $0x6050, s10;
	s17 =	simm.s32 $0x80;
	[smem:$0x7F9] =	sst s2  }
0x29: {  	s19 =	simm.s32 $0x2000;
	s25 =	sadd.s32 $0x40, s10;
	[smem:$0x7FA] =	sst s0  }
0x2a: {  	s21 =	simm.s32 $0xC000;
	s4 =	simm.s32 $0x18000;
	[smem:$0x7FB] =	sst s25  }
0x2b: {  	s18 =	simm.s32 $0x400;
	s20 =	simm.s32 $0x4000;
	[smem:$0x7FC] =	sst s26  }
0x2c: {  	s22 =	simm.s32 $0x5;
	s3 =	simm.s32 $0x16000;
	[smem:$0x7FD] =	sst s31  }
0x2d: {  	s23 =	simm.s32 $0xE000;
	s24 =	simm.s32 $0x10000;
	s25 =	simm.s32 $0x12000  }
0x2e: {  	s0 =	simm.s32 $0x3;
	s2 =	simm.s32 $0x2;
	s26 =	simm.s32 $0x0  }
.LBB2_1:
0x2f: {  	s7 =	rddreg [dreg:$0x4]  }
0x30: {  	s31 =	rddreg [dreg:$0x5]  }
0x31: {  	[tilespmem:s1], [sflag:$0x1] =	stream.strided.gather [hbm4b:s7+s17], $0x2000, s18, s17, $0x38;
	[tilespmem:$0x1C980] =	vst v63  }
0x32: {  	s8 =	rddreg [dreg:$0x6]  }
0x33: {  	[tilespmem:s19], [sflag:$0x1] =	stream.strided.gather [hbm4b:s31+s17], $0x2000, s18, s17, $0x38;
	[tilespmem:$0x1C980] =	vst v63  }
0x34: {  	s9 =	rddreg [dreg:$0x7]  }
0x35: {  	[tilespmem:s20], [sflag:$0x1] =	stream.strided.gather [hbm4b:s8+s17], $0x2000, s18, s17, $0x38;
	[tilespmem:$0x1C980] =	vst v63  }
0x36: {  	s11 =	sld [smem:$0x7F7];
	s8 =	simm.s32 $0x6000  }
0x37: {  	[tilespmem:s8], [sflag:$0x1] =	stream.strided.gather [hbm4b:s9+s17], $0x2000, s18, s17, $0x38;
	[tilespmem:$0x1C980] =	vst v63  }
0x38: {  	s31 =	simm.s32 $0x1C300  }
0x39: {  	[tilespmem:s31], [sflag:$0x5] =	stream.linear.gather [hbm4b:s11+s1], $0x300, $0x38;
	[tilespmem:$0x1C980] =	vst v63  }
0x3a: {  	_ =	swait.ge [sflag:s22], $0x300  }
0x3b: {  	s8 =	sld [smem:$0x7F8]  }
0x3c: {  	[sflag:s22] =	ssyncset.done $0x0  }
0x3d: {  	s9 =	simm.s32 $0x1C600;
	[sflag:s22] =	ssyncadd.s32 $0xFFFFFD00  }
0x3e: {  	[tilespmem:s9], [sflag:$0x5] =	stream.linear.gather [hbm4b:s8+s1], $0x300, $0x38;
	[tilespmem:$0x1C980] =	vst v63  }
0x3f: {  	_ =	swait.ge [sflag:s22], $0x300  }
0x40: {  	s11 =	sld [smem:$0x7F9]  }
0x41: {  	[sflag:s22] =	ssyncset.done $0x0  }
0x42: {  	s31 =	simm.s32 $0x1C900;
	[sflag:s22] =	ssyncadd.s32 $0xFFFFFD00  }
0x43: {  	[tilespmem:s31], [sflag:$0x5] =	stream.linear.gather [hbm4b:s11+s1], $0x80, $0x38;
	[tilespmem:$0x1C980] =	vst v63  }
0x44: {  	_ =	swait.ge [sflag:s22], $0x80  }
0x45: {  	[sflag:s22] =	ssyncset.done $0x0  }
0x46: {  	[sflag:s22] =	ssyncadd.s32 $0xFFFFFF80  }
0x47: {  	s7 =	simm.s32 $0x0;
	v0 =	vld [tilespmem:$0x1C900]  }
0x48: {  	v2 =	vld [tilespmem:s7+$0x1C300]  }
0x49: {  	v3 =	vld [tilespmem:s7+$0x1C600];
	_ =	sdelay $0x3  }
0x4a: {  	v2 =	vmax.f32 v2, $0.0e+00  }
0x4b: {  	s8 =	simm.s32 $0x10;
	v1 =	vsub.f32 $1.000000000e+00, v0;
	v3 =	vmax.f32 v3, $0.0e+00;
	v2 =	vmin.f32 v2, $1.000000000e+00  }
0x4c: {  	v3 =	vmin.f32 v3, $1.000000000e+00;
	v4 =	vmul.f32 v2, v0;
	v2 =	vld [tilespmem:s8+$0x1C300]  }
0x4d: {  	v5 =	vmul.f32 v3, v1;
	v3 =	vld [tilespmem:s8+$0x1C600];
	_ =	sdelay $0x2  }
0x4e: {  	s9 =	simm.s32 $0x80;
	v4 =	vadd.f32 v5, v4  }
.LBB2_2:
0x4f: {  	s11 =	sshra.s32 s9, $0x2;
	p0 =	sne.s32 s9, $0xBC0  }
.Ltmp0:
0x50: {  	s9 =	sadd.s32 $0x40, s9;
	v5 =	vmax.f32 v2, $0.0e+00;
	v2 =	vld [tilespmem:s11+$0x1C300];
	v6 =	vmax.f32 v3, $0.0e+00;
	[tilespmem:s7+$0x1C000] =	vst v4;
	(pc) =	sbr.rel @p0 .LBB2_2-.Ltmp0, $3  }
0x51: {  	v4 =	vmin.f32 v5, $1.000000000e+00;
	s7 =	smov.u32 s8;
	s8 =	smov.u32 s11;
	v3 =	vld [tilespmem:s11+$0x1C600];
	v5 =	vmin.f32 v6, $1.000000000e+00  }
0x52: {  	v4 =	vmul.f32 v4, v0;
	v5 =	vmul.f32 v5, v1;
	_ =	sdelay $0x1  }
0x53: {  	v4 =	vadd.f32 v5, v4  }
0x54: {  	_ = 	snop  }
0x55: {  	v2 =	vmax.f32 v2, $0.0e+00;
	v3 =	vmax.f32 v3, $0.0e+00  }
0x56: {  	v2 =	vmin.f32 v2, $1.000000000e+00;
	v3 =	vmin.f32 v3, $1.000000000e+00  }
0x57: {  	v0 =	vmul.f32 v2, v0;
	v1 =	vmul.f32 v3, v1;
	_ =	sdelay $0x1  }
0x58: {  	v0 =	vadd.f32 v1, v0  }
0x59: {  	[tilespmem:s7+$0x1C000] =	vst v4  }
0x5a: {  	[tilespmem:s8+$0x1C000] =	vst v0;
	s8 =	rddreg [dreg:$0x8]  }
0x5b: {  	[tilespmem:s23], [sflag:$0x2] =	stream.strided.gather [hbm4b:s8+s17], $0x2000, s18, s17, $0x38;
	[tilespmem:$0x1C980] =	vst v63  }
0x5c: {  	s9 =	rddreg [dreg:$0x9]  }
0x5d: {  	[tilespmem:s24], [sflag:$0x2] =	stream.strided.gather [hbm4b:s9+s17], $0x2000, s18, s17, $0x38;
	[tilespmem:$0x1C980] =	vst v63  }
0x5e: {  	s11 =	rddreg [dreg:$0xa]  }
0x5f: {  	[tilespmem:s25], [sflag:$0x2] =	stream.strided.gather [hbm4b:s11+s17], $0x2000, s18, s17, $0x38;
	[tilespmem:$0x1C980] =	vst v63  }
0x60: {  	s8 =	rddreg [dreg:$0xb];
	s9 =	simm.s32 $0x14000  }
0x61: {  	[tilespmem:s9], [sflag:$0x2] =	stream.strided.gather [hbm4b:s8+s17], $0x2000, s18, s17, $0x38;
	[tilespmem:$0x1C980] =	vst v63  }
0x62: {  	_ =	swait.ge [sflag:s28], $0x2000  }
0x63: {  	[sflag:s28] =	ssyncset.done $0x0  }
0x64: {  	[sflag:s28] =	ssyncadd.s32 $0xFFFFE000  }
0x65: {  	_ =	swait.ge [sflag:s28], $0x2000  }
0x66: {  	[sflag:s28] =	ssyncset.done $0x0  }
0x67: {  	[sflag:s28] =	ssyncadd.s32 $0xFFFFE000  }
0x68: {  	_ =	swait.ge [sflag:s28], $0x2000  }
0x69: {  	[sflag:s28] =	ssyncset.done $0x0  }
0x6a: {  	[sflag:s28] =	ssyncadd.s32 $0xFFFFE000  }
0x6b: {  	_ =	swait.ge [sflag:s28], $0x2000  }
0x6c: {  	[sflag:s28] =	ssyncset.done $0x0  }
0x6d: {  	[sflag:s28] =	ssyncadd.s32 $0xFFFFE000  }
0x6e: {  	[hbm4b:s10+s17] =	stream.strided.scatter [tilespmem:s1], [sflag:$0x3], $0x2000, s18, s17, $0x38;
	[tilespmem:$0x1C980] =	vst v63  }
0x6f: {  	s11 =	rddreg [dreg:$0xc]  }
0x70: {  	[hbm4b:s11+s17] =	stream.strided.scatter [tilespmem:s19], [sflag:$0x3], $0x2000, s18, s17, $0x38;
	[tilespmem:$0x1C980] =	vst v63  }
0x71: {  	s9 =	simm.s32 $0x6020;
	s8 =	rddreg [dreg:$0xd]  }
0x72: {  	[hbm4b:s8+s17] =	stream.strided.scatter [tilespmem:s20], [sflag:$0x3], $0x2000, s18, s17, $0x38;
	[tilespmem:$0x1C980] =	vst v63  }
0x73: {  	v0 =	vld [tilespmem:s9+$0x10]  }
0x74: {  	v1 =	vld [tilespmem:s9+$0xFFFFFFE0]  }
0x75: {  	v2 =	vld [tilespmem:s9+$0xFFFFFFF0]  }
0x76: {  	v3 =	vld [tilespmem:s9+$0x0];
	_ =	sdelay $0x2  }
0x77: {  	v0 =	vtrunc.f32 v0  }
0x78: {  	v1 =	vtrunc.f32 v1;
	v2 =	vtrunc.f32 v2  }
0x79: {  	v3 =	vtrunc.f32 v3;
	v0 =	vcvt.f32.s32 v0  }
0x7a: {  	v1 =	vcvt.f32.s32 v1;
	v2 =	vcvt.f32.s32 v2  }
0x7b: {  	v3 =	vcvt.f32.s32 v3;
	vm0 =	vgt.s32 v0, $0x0  }
0x7c: {  	s11 =	simm.s32 $0x6060;
	vm7 =	vgt.s32 v1, $0x0;
	vm1 =	vgt.s32 v2, $0x0;
	v0 =	vnsel vm0, $0x0, v0  }
0x7d: {  	v4 =	vld [tilespmem:s11+$0x10];
	vm8 =	vgt.s32 v3, $0x0;
	v1 =	vnsel vm7, $0x0, v1;
	v0 =	vmin.u32 v0, $0xFF  }
0x7e: {  	v2 =	vnsel vm1, $0x0, v2;
	v1 =	vmin.u32 v1, $0xFF;
	v0 =	vmul.u32 $0x3, v0  }
0x7f: {  	v3 =	vnsel vm8, $0x0, v3;
	v2 =	vmin.u32 v2, $0xFF;
	v1 =	vmul.u32 $0x3, v1  }
0x80: {  	v3 =	vmin.u32 v3, $0xFF;
	v2 =	vmul.u32 $0x3, v2  }
0x81: {  	v6 =	vld [tilespmem:s11+$0xFFFFFFF0];
	v3 =	vmul.u32 $0x3, v3  }
0x82: {  	v8 =	vld [tilespmem:s11+$0xFFFFFFE0];
	v4 =	vtrunc.f32 v4  }
0x83: {  	v9 =	vld [tilespmem:s11+$0x0];
	v4 =	vcvt.f32.s32 v4  }
0x84: {  	v5 =	vld.idx.msk [tilespmem:v0+s30+$0x0], $0xffff  }
0x85: {  	vm9 =	vgt.s32 v4, $0x0;
	v7 =	vadd.s32 $0x1, v0;
	v10 =	vld.idx.msk [tilespmem:v1+s30+$0x0], $0xffff  }
0x86: {  	v4 =	vnsel vm9, $0x0, v4;
	v11 =	vadd.s32 $0x1, v1;
	v12 =	vld.idx.msk [tilespmem:v2+s30+$0x0], $0xffff  }
0x87: {  	v4 =	vmin.u32 v4, $0xFF;
	v13 =	vadd.s32 $0x1, v2;
	v15 =	vld.idx.msk [tilespmem:v3+s30+$0x0], $0xffff  }
0x88: {  	s8 =	simm.s32 $0x8020;
	s11 =	simm.s32 $0x60A0;
	v4 =	vmul.u32 $0x3, v4;
	v14 =	vadd.s32 $0x1, v3  }
0x89: {  	v18 =	vld [tilespmem:s11+$0xFFFFFFE0];
	[tilespmem:s8+$0x10] =	vst v5  }
0x8a: {  	v5 =	vtrunc.f32 v6;
	[tilespmem:s8+$0xFFFFFFE0] =	vst v10;
	v6 =	vld.idx.msk [tilespmem:v7+s30+$0x0], $0xffff  }
0x8b: {  	v0 =	vadd.s32 $0x2, v0;
	[tilespmem:s8+$0xFFFFFFF0] =	vst v12;
	v7 =	vtrunc.f32 v8;
	v8 =	vtrunc.f32 v9;
	v9 =	vld.idx.msk [tilespmem:v11+s30+$0x0], $0xffff  }
0x8c: {  	[tilespmem:s8+$0x0] =	vst v15;
	v10 =	vld.idx.msk [tilespmem:v13+s30+$0x0], $0xffff;
	v7 =	vcvt.f32.s32 v7  }
0x8d: {  	v5 =	vcvt.f32.s32 v5;
	v11 =	vld.idx.msk [tilespmem:v14+s30+$0x0], $0xffff;
	v8 =	vcvt.f32.s32 v8  }
0x8e: {  	s9 =	simm.s32 $0xA020;
	v16 =	vadd.s32 $0x1, v4;
	v13 =	vld.idx.msk [tilespmem:v4+s30+$0x0], $0xffff;
	vm10 =	vgt.s32 v7, $0x0  }
0x8f: {  	v14 =	vld [tilespmem:s11+$0xFFFFFFF0];
	vm11 =	vgt.s32 v5, $0x0;
	vm12 =	vgt.s32 v8, $0x0;
	v7 =	vnsel vm10, $0x0, v7;
	[tilespmem:s9+$0x10] =	vst v6  }
0x90: {  	v5 =	vnsel vm11, $0x0, v5;
	v7 =	vmin.u32 v7, $0xFF;
	v6 =	vnsel vm12, $0x0, v8;
	v8 =	vld.idx.msk [tilespmem:v0+s30+$0x0], $0xffff  }
0x91: {  	v5 =	vmin.u32 v5, $0xFF;
	v7 =	vmul.u32 $0x3, v7;
	v0 =	vmin.u32 v6, $0xFF;
	v6 =	vld [tilespmem:s11+$0x10]  }
0x92: {  	v5 =	vmul.u32 $0x3, v5  }
0x93: {  	s8 =	simm.s32 $0x8060;
	v12 =	vmul.u32 $0x3, v0  }
0x94: {  	v15 =	vld [tilespmem:s11+$0x0];
	[tilespmem:s8+$0x10] =	vst v13  }
0x95: {  	v17 =	vadd.s32 $0x2, v1;
	v14 =	vtrunc.f32 v14;
	[tilespmem:s9+$0x0] =	vst v11;
	v11 =	vtrunc.f32 v18  }
0x96: {  	v2 =	vadd.s32 $0x2, v2;
	[tilespmem:s9+$0xFFFFFFF0] =	vst v10;
	v10 =	vcvt.f32.s32 v14;
	v14 =	vld.idx.msk [tilespmem:v16+s30+$0x0], $0xffff;
	v1 =	vtrunc.f32 v6  }
0x97: {  	v3 =	vadd.s32 $0x2, v3;
	v11 =	vcvt.f32.s32 v11;
	v20 =	vld.idx.msk [tilespmem:v7+s30+$0x0], $0xffff;
	v6 =	vcvt.f32.s32 v1  }
0x98: {  	[tilespmem:s9+$0xFFFFFFE0] =	vst v9;
	v19 =	vadd.s32 $0x1, v5;
	v0 =	vadd.s32 $0x2, v5;
	v9 =	vadd.s32 $0x1, v7;
	v5 =	vld.idx.msk [tilespmem:v5+s30+$0x0], $0xffff  }
0x99: {  	v1 =	vadd.s32 $0x2, v7;
	v7 =	vtrunc.f32 v15;
	v13 =	vld.idx.msk [tilespmem:v12+s30+$0x0], $0xffff;
	vm13 =	vgt.s32 v6, $0x0  }
0x9a: {  	s7 =	simm.s32 $0xC020;
	v62 =	vld.idx.msk [tilespmem:v17+s30+$0x0], $0xffff;
	v21 =	vadd.s32 $0x1, v12;
	v15 =	vcvt.f32.s32 v7;
	v7 =	vnsel vm13, $0x0, v6  }
0x9b: {  	v63 =	vadd.s32 $0x2, v4;
	vm14 =	vgt.s32 v10, $0x0;
	[tilespmem:s7+$0x10] =	vst v8;
	v6 =	vld.idx.msk [tilespmem:v2+s30+$0x0], $0xffff;
	v4 =	vmin.u32 v7, $0xFF  }
0x9c: {  	vm2 =	vgt.s32 v11, $0x0;
	vm15 =	vgt.s32 v15, $0x0;
	v7 =	vld.idx.msk [tilespmem:v3+s30+$0x0], $0xffff;
	[tilespmem:s8+$0xFFFFFFE0] =	vst v20;
	v3 =	vmul.u32 $0x3, v4  }
0x9d: {  	v2 =	vadd.s32 $0x2, v12;
	[tilespmem:s8+$0xFFFFFFF0] =	vst v5;
	v5 =	vnsel vm15, $0x0, v15;
	v4 =	vnsel vm14, $0x0, v10;
	v8 =	vld.idx.msk [tilespmem:v9+s30+$0x0], $0xffff  }
0x9e: {  	s9 =	simm.s32 $0xA060;
	v10 =	vnsel vm2, $0x0, v11;
	v11 =	vmin.u32 v5, $0xFF;
	v9 =	vld.idx.msk [tilespmem:v19+s30+$0x0], $0xffff;
	[tilespmem:s8+$0x0] =	vst v13;
	v4 =	vmin.u32 v4, $0xFF  }
0x9f: {  	[tilespmem:s9+$0x10] =	vst v14;
	v10 =	vmin.u32 v10, $0xFF;
	v12 =	vld.idx.msk [tilespmem:v21+s30+$0x0], $0xffff;
	v5 =	vmul.u32 $0x3, v4;
	v4 =	vmul.u32 $0x3, v11  }
0xa0: {  	s31 =	simm.s32 $0x8;
	s11 =	simm.s32 $0x60E0;
	[tilespmem:s7+$0xFFFFFFE0] =	vst v62;
	v11 =	vmul.u32 $0x3, v10;
	v10 =	vld.idx.msk [tilespmem:v63+s30+$0x0], $0xffff  }
.LBB2_4:
0xa1: {  	v13 =	vld [tilespmem:s11+$0x10];
	s31 =	sadd.s32 $0x4, s31;
	v14 =	vadd.s32 $0x1, v5;
	v15 =	vadd.s32 $0x2, v5;
	v16 =	vadd.s32 $0x1, v4;
	[tilespmem:s7+$0xFFFFFFF0] =	vst v6  }
0xa2: {  	v18 =	vadd.s32 $0x2, v4;
	p0 =	slt.u32 s31, $0x1FC;
	v17 =	vadd.s32 $0x1, v11;
	v6 =	vadd.s32 $0x2, v11;
	v19 =	vld.idx.msk [tilespmem:v3+s30+$0x0], $0xffff;
	[tilespmem:s7+$0x0] =	vst v7  }
0xa3: {  	v7 =	vld [tilespmem:s11+$0xFFFFFFF0];
	[tilespmem:s9+$0xFFFFFFE0] =	vst v8  }
0xa4: {  	v20 =	vadd.s32 $0x1, v3;
	v8 =	vld [tilespmem:s11+$0x0];
	[tilespmem:s9+$0xFFFFFFF0] =	vst v9  }
0xa5: {  	s7 =	sadd.s32 $0x40, s7;
	v9 =	vld [tilespmem:s11+$0xFFFFFFE0];
	[tilespmem:s9+$0x0] =	vst v12  }
0xa6: {  	v12 =	vtrunc.f32 v13;
	v11 =	vld.idx.msk [tilespmem:v11+s30+$0x0], $0xffff;
	[tilespmem:s7+$0x10] =	vst v10  }
0xa7: {  	s8 =	sadd.s32 $0x40, s8;
	v10 =	vcvt.f32.s32 v12;
	v5 =	vld.idx.msk [tilespmem:v5+s30+$0x0], $0xffff  }
0xa8: {  	v7 =	vtrunc.f32 v7;
	v4 =	vld.idx.msk [tilespmem:v4+s30+$0x0], $0xffff;
	[tilespmem:s8+$0x10] =	vst v19  }
0xa9: {  	v12 =	vcvt.f32.s32 v7;
	v7 =	vtrunc.f32 v8;
	vm0 =	vgt.s32 v10, $0x0;
	v13 =	vld.idx.msk [tilespmem:v20+s30+$0x0], $0xffff  }
0xaa: {  	v8 =	vtrunc.f32 v9;
	v9 =	vcvt.f32.s32 v7;
	v7 =	vnsel vm0, $0x0, v10;
	v19 =	vld.idx.msk [tilespmem:v1+s30+$0x0], $0xffff;
	v1 =	vmovc v6  }
0xab: {  	v20 =	vadd.s32 $0x2, v3;
	v10 =	vcvt.f32.s32 v8;
	v7 =	vmin.u32 v7, $0xFF;
	v6 =	vld.idx.msk [tilespmem:v0+s30+$0x0], $0xffff;
	v0 =	vmovc v15  }
.Ltmp1:
0xac: {  	vm0 =	vgt.s32 v12, $0x0;
	vm1 =	vgt.s32 v9, $0x0;
	v3 =	vmul.u32 $0x3, v7;
	[tilespmem:s8+$0xFFFFFFE0] =	vst v11;
	v7 =	vld.idx.msk [tilespmem:v2+s30+$0x0], $0xffff;
	v2 =	vmovc v18;
	(pc) =	sbr.rel @p0 .LBB2_4-.Ltmp1, $4  }
0xad: {  	v11 =	vnsel vm0, $0x0, v12;
	vm2 =	vgt.s32 v10, $0x0;
	v9 =	vnsel vm1, $0x0, v9;
	v8 =	vld.idx.msk [tilespmem:v17+s30+$0x0], $0xffff;
	[tilespmem:s8+$0xFFFFFFF0] =	vst v5  }
0xae: {  	s9 =	sadd.s32 $0x40, s9;
	v5 =	vnsel vm2, $0x0, v10;
	v10 =	vmin.u32 v11, $0xFF;
	v11 =	vmin.u32 v9, $0xFF;
	v9 =	vld.idx.msk [tilespmem:v14+s30+$0x0], $0xffff;
	[tilespmem:s8+$0x0] =	vst v4  }
0xaf: {  	v14 =	vmin.u32 v5, $0xFF;
	v5 =	vmul.u32 $0x3, v10;
	v4 =	vmul.u32 $0x3, v11;
	v12 =	vld.idx.msk [tilespmem:v16+s30+$0x0], $0xffff;
	[tilespmem:s9+$0x10] =	vst v13  }
0xb0: {  	s11 =	sadd.s32 $0x40, s11;
	v11 =	vmul.u32 $0x3, v14;
	v10 =	vld.idx.msk [tilespmem:v20+s30+$0x0], $0xffff;
	[tilespmem:s7+$0xFFFFFFE0] =	vst v19  }
0xb1: {  	_ =	sdelay $0x3  }
0xb2: {  	v13 =	vld.idx.msk [tilespmem:v3+s30+$0x0], $0xffff;
	[tilespmem:s7+$0xFFFFFFF0] =	vst v6  }
0xb3: {  	v6 =	vadd.s32 $0x1, v3;
	[tilespmem:s7+$0x0] =	vst v7;
	v7 =	vld.idx.msk [tilespmem:v11+s30+$0x0], $0xffff  }
0xb4: {  	v14 =	vadd.s32 $0x1, v11;
	[tilespmem:s9+$0xFFFFFFE0] =	vst v8;
	v8 =	vld.idx.msk [tilespmem:v5+s30+$0x0], $0xffff  }
0xb5: {  	v15 =	vadd.s32 $0x1, v5;
	[tilespmem:s9+$0xFFFFFFF0] =	vst v9;
	v9 =	vld.idx.msk [tilespmem:v4+s30+$0x0], $0xffff  }
0xb6: {  	s8 =	sadd.s32 $0x40, s8;
	v16 =	vadd.s32 $0x1, v4;
	[tilespmem:s9+$0x0] =	vst v12  }
0xb7: {  	v1 =	vld.idx.msk [tilespmem:v1+s30+$0x0], $0xffff;
	[tilespmem:s8+$0x10] =	vst v13  }
0xb8: {  	v6 =	vld.idx.msk [tilespmem:v6+s30+$0x0], $0xffff;
	[tilespmem:s8+$0xFFFFFFE0] =	vst v7  }
0xb9: {  	v3 =	vadd.s32 $0x2, v3;
	[tilespmem:s8+$0xFFFFFFF0] =	vst v8;
	v7 =	vld.idx.msk [tilespmem:v14+s30+$0x0], $0xffff  }
0xba: {  	s7 =	sadd.s32 $0x40, s7;
	v8 =	vadd.s32 $0x2, v11;
	v11 =	vld.idx.msk [tilespmem:v15+s30+$0x0], $0xffff;
	[tilespmem:s8+$0x0] =	vst v9  }
0xbb: {  	v5 =	vadd.s32 $0x2, v5;
	[tilespmem:s7+$0x10] =	vst v10;
	v9 =	vld.idx.msk [tilespmem:v16+s30+$0x0], $0xffff  }
0xbc: {  	s11 =	sadd.s32 $0x40, s9;
	v4 =	vadd.s32 $0x2, v4;
	v0 =	vld.idx.msk [tilespmem:v0+s30+$0x0], $0xffff;
	[tilespmem:s7+$0xFFFFFFE0] =	vst v1  }
0xbd: {  	v2 =	vld.idx.msk [tilespmem:v2+s30+$0x0], $0xffff;
	[tilespmem:s11+$0x10] =	vst v6  }
0xbe: {  	v1 =	vld.idx.msk [tilespmem:v3+s30+$0x0], $0xffff;
	[tilespmem:s11+$0xFFFFFFE0] =	vst v7  }
0xbf: {  	[tilespmem:s11+$0xFFFFFFF0] =	vst v11;
	v3 =	vld.idx.msk [tilespmem:v8+s30+$0x0], $0xffff  }
0xc0: {  	[tilespmem:s11+$0x0] =	vst v9;
	v5 =	vld.idx.msk [tilespmem:v5+s30+$0x0], $0xffff  }
0xc1: {  	[tilespmem:s7+$0xFFFFFFF0] =	vst v0;
	v0 =	vld.idx.msk [tilespmem:v4+s30+$0x0], $0xffff  }
0xc2: {  	[tilespmem:s7+$0x0] =	vst v2;
	s7 =	sadd.s32 $0x40, s7  }
0xc3: {  	[tilespmem:s7+$0x10] =	vst v1  }
0xc4: {  	[tilespmem:s7+$0xFFFFFFE0] =	vst v3  }
0xc5: {  	[tilespmem:s7+$0xFFFFFFF0] =	vst v5  }
0xc6: {  	[tilespmem:s7+$0x0] =	vst v0  }
0xc7: {  	s7 =	rddreg [dreg:$0xe]  }
0xc8: {  	s9 =	simm.s32 $0x8000;
	s11 =	sld [smem:$0x7FB]  }
0xc9: {  	[hbm4b:s7+s17] =	stream.strided.scatter [tilespmem:s9], [sflag:$0x3], $0x2000, s18, s17, $0x38;
	[tilespmem:$0x1C980] =	vst v63  }
0xca: {  	s8 =	sld [smem:$0x7FC]  }
0xcb: {  	[hbm4b:s11+s17] =	stream.strided.scatter [tilespmem:s29], [sflag:$0x3], $0x2000, s18, s17, $0x38;
	[tilespmem:$0x1C980] =	vst v63  }
0xcc: {  	_ = 	snop  }
0xcd: {  	[hbm4b:s8+s17] =	stream.strided.scatter [tilespmem:s21], [sflag:$0x3], $0x2000, s18, s17, $0x38;
	[tilespmem:$0x1C980] =	vst v63  }
0xce: {  	_ =	swait.ge [sflag:s0], $0x2000  }
0xcf: {  	[sflag:s0] =	ssyncset.done $0x0  }
0xd0: {  	[sflag:s0] =	ssyncadd.s32 $0xFFFFE000  }
0xd1: {  	_ =	swait.ge [sflag:s0], $0x2000  }
0xd2: {  	[sflag:s0] =	ssyncset.done $0x0  }
0xd3: {  	[sflag:s0] =	ssyncadd.s32 $0xFFFFE000  }
0xd4: {  	_ =	swait.ge [sflag:s0], $0x2000  }
0xd5: {  	[sflag:s0] =	ssyncset.done $0x0  }
0xd6: {  	[sflag:s0] =	ssyncadd.s32 $0xFFFFE000  }
0xd7: {  	_ =	swait.ge [sflag:s0], $0x2000  }
0xd8: {  	[sflag:s0] =	ssyncset.done $0x0  }
0xd9: {  	[sflag:s0] =	ssyncadd.s32 $0xFFFFE000  }
0xda: {  	_ =	swait.ge [sflag:s0], $0x2000  }
0xdb: {  	[sflag:s0] =	ssyncset.done $0x0  }
0xdc: {  	[sflag:s0] =	ssyncadd.s32 $0xFFFFE000  }
0xdd: {  	_ =	swait.ge [sflag:s0], $0x2000  }
0xde: {  	[sflag:s0] =	ssyncset.done $0x0  }
0xdf: {  	s9 =	rddreg [dreg:$0x13];
	[sflag:s0] =	ssyncadd.s32 $0xFFFFE000  }
0xe0: {  	[tilespmem:s1], [sflag:$0x1] =	stream.strided.gather [hbm4b:s9+s17], $0x2000, s18, s17, $0x38;
	[tilespmem:$0x1C980] =	vst v63  }
0xe1: {  	s11 =	rddreg [dreg:$0x14]  }
0xe2: {  	[tilespmem:s19], [sflag:$0x1] =	stream.strided.gather [hbm4b:s11+s17], $0x2000, s18, s17, $0x38;
	[tilespmem:$0x1C980] =	vst v63  }
0xe3: {  	s8 =	rddreg [dreg:$0x15]  }
0xe4: {  	[tilespmem:s20], [sflag:$0x1] =	stream.strided.gather [hbm4b:s8+s17], $0x2000, s18, s17, $0x38;
	[tilespmem:$0x1C980] =	vst v63  }
0xe5: {  	s9 =	rddreg [dreg:$0x16];
	s11 =	simm.s32 $0x6000  }
0xe6: {  	[tilespmem:s11], [sflag:$0x1] =	stream.strided.gather [hbm4b:s9+s17], $0x2000, s18, s17, $0x38;
	[tilespmem:$0x1C980] =	vst v63  }
0xe7: {  	_ =	swait.ge [sflag:s2], $0x2000  }
0xe8: {  	[sflag:s2] =	ssyncset.done $0x0  }
0xe9: {  	[sflag:s2] =	ssyncadd.s32 $0xFFFFE000  }
0xea: {  	_ =	swait.ge [sflag:s2], $0x2000  }
0xeb: {  	[sflag:s2] =	ssyncset.done $0x0  }
0xec: {  	[sflag:s2] =	ssyncadd.s32 $0xFFFFE000  }
0xed: {  	_ =	swait.ge [sflag:s2], $0x2000  }
0xee: {  	[sflag:s2] =	ssyncset.done $0x0  }
0xef: {  	[sflag:s2] =	ssyncadd.s32 $0xFFFFE000  }
0xf0: {  	_ =	swait.ge [sflag:s2], $0x2000  }
0xf1: {  	[sflag:s2] =	ssyncset.done $0x0  }
0xf2: {  	s9 =	rddreg [dreg:$0xf];
	[sflag:s2] =	ssyncadd.s32 $0xFFFFE000  }
0xf3: {  	[hbm4b:s9+s17] =	stream.strided.scatter [tilespmem:s23], [sflag:$0x4], $0x2000, s18, s17, $0x38;
	[tilespmem:$0x1C980] =	vst v63  }
0xf4: {  	s11 =	rddreg [dreg:$0x10]  }
0xf5: {  	[hbm4b:s11+s17] =	stream.strided.scatter [tilespmem:s24], [sflag:$0x4], $0x2000, s18, s17, $0x38;
	[tilespmem:$0x1C980] =	vst v63  }
0xf6: {  	s8 =	rddreg [dreg:$0x11];
	s9 =	simm.s32 $0x14020  }
0xf7: {  	[hbm4b:s8+s17] =	stream.strided.scatter [tilespmem:s25], [sflag:$0x4], $0x2000, s18, s17, $0x38;
	[tilespmem:$0x1C980] =	vst v63  }
0xf8: {  	v0 =	vld [tilespmem:s9+$0x10]  }
0xf9: {  	v1 =	vld [tilespmem:s9+$0xFFFFFFE0]  }
0xfa: {  	v2 =	vld [tilespmem:s9+$0xFFFFFFF0]  }
0xfb: {  	v3 =	vld [tilespmem:s9+$0x0];
	_ =	sdelay $0x2  }
0xfc: {  	v0 =	vtrunc.f32 v0  }
0xfd: {  	v1 =	vtrunc.f32 v1;
	v2 =	vtrunc.f32 v2  }
0xfe: {  	v3 =	vtrunc.f32 v3;
	v0 =	vcvt.f32.s32 v0  }
0xff: {  	v1 =	vcvt.f32.s32 v1;
	v2 =	vcvt.f32.s32 v2  }
0x100: {  	v3 =	vcvt.f32.s32 v3;
	vm0 =	vgt.s32 v0, $0x0  }
0x101: {  	s11 =	simm.s32 $0x14060;
	vm7 =	vgt.s32 v1, $0x0;
	vm1 =	vgt.s32 v2, $0x0;
	v0 =	vnsel vm0, $0x0, v0  }
0x102: {  	v4 =	vld [tilespmem:s11+$0x10];
	vm8 =	vgt.s32 v3, $0x0;
	v1 =	vnsel vm7, $0x0, v1;
	v0 =	vmin.u32 v0, $0xFF  }
0x103: {  	v2 =	vnsel vm1, $0x0, v2;
	v1 =	vmin.u32 v1, $0xFF;
	v0 =	vmul.u32 $0x3, v0  }
0x104: {  	v3 =	vnsel vm8, $0x0, v3;
	v2 =	vmin.u32 v2, $0xFF;
	v1 =	vmul.u32 $0x3, v1  }
0x105: {  	v3 =	vmin.u32 v3, $0xFF;
	v2 =	vmul.u32 $0x3, v2  }
0x106: {  	v6 =	vld [tilespmem:s11+$0xFFFFFFF0];
	v3 =	vmul.u32 $0x3, v3  }
0x107: {  	v8 =	vld [tilespmem:s11+$0xFFFFFFE0];
	v4 =	vtrunc.f32 v4  }
0x108: {  	v9 =	vld [tilespmem:s11+$0x0];
	v4 =	vcvt.f32.s32 v4  }
0x109: {  	v5 =	vld.idx.msk [tilespmem:v0+s30+$0x0], $0xffff  }
0x10a: {  	vm9 =	vgt.s32 v4, $0x0;
	v7 =	vadd.s32 $0x1, v0;
	v10 =	vld.idx.msk [tilespmem:v1+s30+$0x0], $0xffff  }
0x10b: {  	v4 =	vnsel vm9, $0x0, v4;
	v11 =	vadd.s32 $0x1, v1;
	v12 =	vld.idx.msk [tilespmem:v2+s30+$0x0], $0xffff  }
0x10c: {  	v4 =	vmin.u32 v4, $0xFF;
	v13 =	vadd.s32 $0x1, v2;
	v15 =	vld.idx.msk [tilespmem:v3+s30+$0x0], $0xffff  }
0x10d: {  	s8 =	simm.s32 $0x16020;
	s11 =	simm.s32 $0x140A0;
	v4 =	vmul.u32 $0x3, v4;
	v14 =	vadd.s32 $0x1, v3  }
0x10e: {  	v18 =	vld [tilespmem:s11+$0xFFFFFFE0];
	[tilespmem:s8+$0x10] =	vst v5  }
0x10f: {  	v5 =	vtrunc.f32 v6;
	[tilespmem:s8+$0xFFFFFFE0] =	vst v10;
	v6 =	vld.idx.msk [tilespmem:v7+s30+$0x0], $0xffff  }
0x110: {  	v0 =	vadd.s32 $0x2, v0;
	[tilespmem:s8+$0xFFFFFFF0] =	vst v12;
	v7 =	vtrunc.f32 v8;
	v8 =	vtrunc.f32 v9;
	v9 =	vld.idx.msk [tilespmem:v11+s30+$0x0], $0xffff  }
0x111: {  	[tilespmem:s8+$0x0] =	vst v15;
	v10 =	vld.idx.msk [tilespmem:v13+s30+$0x0], $0xffff;
	v7 =	vcvt.f32.s32 v7  }
0x112: {  	v5 =	vcvt.f32.s32 v5;
	v11 =	vld.idx.msk [tilespmem:v14+s30+$0x0], $0xffff;
	v8 =	vcvt.f32.s32 v8  }
0x113: {  	s9 =	simm.s32 $0x18020;
	v61 =	vadd.s32 $0x1, v4;
	v13 =	vld.idx.msk [tilespmem:v4+s30+$0x0], $0xffff;
	vm10 =	vgt.s32 v7, $0x0  }
0x114: {  	v14 =	vld [tilespmem:s11+$0xFFFFFFF0];
	vm11 =	vgt.s32 v5, $0x0;
	vm12 =	vgt.s32 v8, $0x0;
	v7 =	vnsel vm10, $0x0, v7;
	[tilespmem:s9+$0x10] =	vst v6  }
0x115: {  	v5 =	vnsel vm11, $0x0, v5;
	v7 =	vmin.u32 v7, $0xFF;
	v6 =	vnsel vm12, $0x0, v8;
	v8 =	vld.idx.msk [tilespmem:v0+s30+$0x0], $0xffff  }
0x116: {  	v5 =	vmin.u32 v5, $0xFF;
	v7 =	vmul.u32 $0x3, v7;
	v0 =	vmin.u32 v6, $0xFF;
	v6 =	vld [tilespmem:s11+$0x10]  }
0x117: {  	v5 =	vmul.u32 $0x3, v5  }
0x118: {  	s8 =	simm.s32 $0x16060;
	v12 =	vmul.u32 $0x3, v0  }
0x119: {  	v15 =	vld [tilespmem:s11+$0x0];
	[tilespmem:s8+$0x10] =	vst v13  }
0x11a: {  	v17 =	vadd.s32 $0x2, v1;
	v14 =	vtrunc.f32 v14;
	[tilespmem:s9+$0x0] =	vst v11;
	v11 =	vtrunc.f32 v18  }
0x11b: {  	v2 =	vadd.s32 $0x2, v2;
	[tilespmem:s9+$0xFFFFFFF0] =	vst v10;
	v10 =	vcvt.f32.s32 v14;
	v14 =	vld.idx.msk [tilespmem:v61+s30+$0x0], $0xffff;
	v1 =	vtrunc.f32 v6  }
0x11c: {  	v3 =	vadd.s32 $0x2, v3;
	v11 =	vcvt.f32.s32 v11;
	v20 =	vld.idx.msk [tilespmem:v7+s30+$0x0], $0xffff;
	v6 =	vcvt.f32.s32 v1  }
0x11d: {  	[tilespmem:s9+$0xFFFFFFE0] =	vst v9;
	v19 =	vadd.s32 $0x1, v5;
	v0 =	vadd.s32 $0x2, v5;
	v9 =	vadd.s32 $0x1, v7;
	v5 =	vld.idx.msk [tilespmem:v5+s30+$0x0], $0xffff  }
0x11e: {  	v1 =	vadd.s32 $0x2, v7;
	v7 =	vtrunc.f32 v15;
	v13 =	vld.idx.msk [tilespmem:v12+s30+$0x0], $0xffff;
	vm13 =	vgt.s32 v6, $0x0  }
0x11f: {  	s7 =	simm.s32 $0x1A020;
	v62 =	vld.idx.msk [tilespmem:v17+s30+$0x0], $0xffff;
	v21 =	vadd.s32 $0x1, v12;
	v15 =	vcvt.f32.s32 v7;
	v7 =	vnsel vm13, $0x0, v6  }
0x120: {  	v63 =	vadd.s32 $0x2, v4;
	vm14 =	vgt.s32 v10, $0x0;
	[tilespmem:s7+$0x10] =	vst v8;
	v6 =	vld.idx.msk [tilespmem:v2+s30+$0x0], $0xffff;
	v4 =	vmin.u32 v7, $0xFF  }
0x121: {  	vm2 =	vgt.s32 v11, $0x0;
	vm15 =	vgt.s32 v15, $0x0;
	v7 =	vld.idx.msk [tilespmem:v3+s30+$0x0], $0xffff;
	[tilespmem:s8+$0xFFFFFFE0] =	vst v20;
	v3 =	vmul.u32 $0x3, v4  }
0x122: {  	v2 =	vadd.s32 $0x2, v12;
	[tilespmem:s8+$0xFFFFFFF0] =	vst v5;
	v5 =	vnsel vm15, $0x0, v15;
	v4 =	vnsel vm14, $0x0, v10;
	v8 =	vld.idx.msk [tilespmem:v9+s30+$0x0], $0xffff  }
0x123: {  	s9 =	simm.s32 $0x18060;
	v10 =	vnsel vm2, $0x0, v11;
	v11 =	vmin.u32 v5, $0xFF;
	v9 =	vld.idx.msk [tilespmem:v19+s30+$0x0], $0xffff;
	[tilespmem:s8+$0x0] =	vst v13;
	v4 =	vmin.u32 v4, $0xFF  }
0x124: {  	[tilespmem:s9+$0x10] =	vst v14;
	v10 =	vmin.u32 v10, $0xFF;
	v12 =	vld.idx.msk [tilespmem:v21+s30+$0x0], $0xffff;
	v5 =	vmul.u32 $0x3, v4;
	v4 =	vmul.u32 $0x3, v11  }
0x125: {  	s31 =	simm.s32 $0x8;
	s11 =	simm.s32 $0x140E0;
	[tilespmem:s7+$0xFFFFFFE0] =	vst v62;
	v11 =	vmul.u32 $0x3, v10;
	v10 =	vld.idx.msk [tilespmem:v63+s30+$0x0], $0xffff  }
.LBB2_6:
0x126: {  	v13 =	vld [tilespmem:s11+$0x10];
	s31 =	sadd.s32 $0x4, s31;
	v14 =	vadd.s32 $0x1, v5;
	v15 =	vadd.s32 $0x2, v5;
	v16 =	vadd.s32 $0x1, v4;
	[tilespmem:s7+$0xFFFFFFF0] =	vst v6  }
0x127: {  	v18 =	vadd.s32 $0x2, v4;
	p0 =	slt.u32 s31, $0x1FC;
	v17 =	vadd.s32 $0x1, v11;
	v6 =	vadd.s32 $0x2, v11;
	v19 =	vld.idx.msk [tilespmem:v3+s30+$0x0], $0xffff;
	[tilespmem:s7+$0x0] =	vst v7  }
0x128: {  	v7 =	vld [tilespmem:s11+$0xFFFFFFF0];
	[tilespmem:s9+$0xFFFFFFE0] =	vst v8  }
0x129: {  	v20 =	vadd.s32 $0x1, v3;
	v8 =	vld [tilespmem:s11+$0x0];
	[tilespmem:s9+$0xFFFFFFF0] =	vst v9  }
0x12a: {  	s7 =	sadd.s32 $0x40, s7;
	v9 =	vld [tilespmem:s11+$0xFFFFFFE0];
	[tilespmem:s9+$0x0] =	vst v12  }
0x12b: {  	v12 =	vtrunc.f32 v13;
	v11 =	vld.idx.msk [tilespmem:v11+s30+$0x0], $0xffff;
	[tilespmem:s7+$0x10] =	vst v10  }
0x12c: {  	s8 =	sadd.s32 $0x40, s8;
	v10 =	vcvt.f32.s32 v12;
	v5 =	vld.idx.msk [tilespmem:v5+s30+$0x0], $0xffff  }
0x12d: {  	v7 =	vtrunc.f32 v7;
	v4 =	vld.idx.msk [tilespmem:v4+s30+$0x0], $0xffff;
	[tilespmem:s8+$0x10] =	vst v19  }
0x12e: {  	v12 =	vcvt.f32.s32 v7;
	v7 =	vtrunc.f32 v8;
	vm0 =	vgt.s32 v10, $0x0;
	v13 =	vld.idx.msk [tilespmem:v20+s30+$0x0], $0xffff  }
0x12f: {  	v8 =	vtrunc.f32 v9;
	v9 =	vcvt.f32.s32 v7;
	v7 =	vnsel vm0, $0x0, v10;
	v19 =	vld.idx.msk [tilespmem:v1+s30+$0x0], $0xffff;
	v1 =	vmovc v6  }
0x130: {  	v20 =	vadd.s32 $0x2, v3;
	v10 =	vcvt.f32.s32 v8;
	v7 =	vmin.u32 v7, $0xFF;
	v6 =	vld.idx.msk [tilespmem:v0+s30+$0x0], $0xffff;
	v0 =	vmovc v15  }
.Ltmp2:
0x131: {  	vm0 =	vgt.s32 v12, $0x0;
	vm1 =	vgt.s32 v9, $0x0;
	v3 =	vmul.u32 $0x3, v7;
	[tilespmem:s8+$0xFFFFFFE0] =	vst v11;
	v7 =	vld.idx.msk [tilespmem:v2+s30+$0x0], $0xffff;
	v2 =	vmovc v18;
	(pc) =	sbr.rel @p0 .LBB2_6-.Ltmp2, $4  }
0x132: {  	v11 =	vnsel vm0, $0x0, v12;
	vm2 =	vgt.s32 v10, $0x0;
	v9 =	vnsel vm1, $0x0, v9;
	v8 =	vld.idx.msk [tilespmem:v17+s30+$0x0], $0xffff;
	[tilespmem:s8+$0xFFFFFFF0] =	vst v5  }
0x133: {  	s9 =	sadd.s32 $0x40, s9;
	v5 =	vnsel vm2, $0x0, v10;
	v10 =	vmin.u32 v11, $0xFF;
	v11 =	vmin.u32 v9, $0xFF;
	v9 =	vld.idx.msk [tilespmem:v14+s30+$0x0], $0xffff;
	[tilespmem:s8+$0x0] =	vst v4  }
0x134: {  	v14 =	vmin.u32 v5, $0xFF;
	v5 =	vmul.u32 $0x3, v10;
	v4 =	vmul.u32 $0x3, v11;
	v12 =	vld.idx.msk [tilespmem:v16+s30+$0x0], $0xffff;
	[tilespmem:s9+$0x10] =	vst v13  }
0x135: {  	s11 =	sadd.s32 $0x40, s11;
	v11 =	vmul.u32 $0x3, v14;
	v10 =	vld.idx.msk [tilespmem:v20+s30+$0x0], $0xffff;
	[tilespmem:s7+$0xFFFFFFE0] =	vst v19  }
0x136: {  	_ =	sdelay $0x3  }
0x137: {  	v13 =	vld.idx.msk [tilespmem:v3+s30+$0x0], $0xffff;
	[tilespmem:s7+$0xFFFFFFF0] =	vst v6  }
0x138: {  	v6 =	vadd.s32 $0x1, v3;
	[tilespmem:s7+$0x0] =	vst v7;
	v7 =	vld.idx.msk [tilespmem:v11+s30+$0x0], $0xffff  }
0x139: {  	v14 =	vadd.s32 $0x1, v11;
	[tilespmem:s9+$0xFFFFFFE0] =	vst v8;
	v8 =	vld.idx.msk [tilespmem:v5+s30+$0x0], $0xffff  }
0x13a: {  	v15 =	vadd.s32 $0x1, v5;
	[tilespmem:s9+$0xFFFFFFF0] =	vst v9;
	v9 =	vld.idx.msk [tilespmem:v4+s30+$0x0], $0xffff  }
0x13b: {  	s8 =	sadd.s32 $0x40, s8;
	v16 =	vadd.s32 $0x1, v4;
	[tilespmem:s9+$0x0] =	vst v12  }
0x13c: {  	v1 =	vld.idx.msk [tilespmem:v1+s30+$0x0], $0xffff;
	[tilespmem:s8+$0x10] =	vst v13  }
0x13d: {  	v6 =	vld.idx.msk [tilespmem:v6+s30+$0x0], $0xffff;
	[tilespmem:s8+$0xFFFFFFE0] =	vst v7  }
0x13e: {  	v3 =	vadd.s32 $0x2, v3;
	[tilespmem:s8+$0xFFFFFFF0] =	vst v8;
	v7 =	vld.idx.msk [tilespmem:v14+s30+$0x0], $0xffff  }
0x13f: {  	s7 =	sadd.s32 $0x40, s7;
	v8 =	vadd.s32 $0x2, v11;
	v11 =	vld.idx.msk [tilespmem:v15+s30+$0x0], $0xffff;
	[tilespmem:s8+$0x0] =	vst v9  }
0x140: {  	v5 =	vadd.s32 $0x2, v5;
	[tilespmem:s7+$0x10] =	vst v10;
	v9 =	vld.idx.msk [tilespmem:v16+s30+$0x0], $0xffff  }
0x141: {  	s11 =	sadd.s32 $0x40, s9;
	v4 =	vadd.s32 $0x2, v4;
	v0 =	vld.idx.msk [tilespmem:v0+s30+$0x0], $0xffff;
	[tilespmem:s7+$0xFFFFFFE0] =	vst v1  }
0x142: {  	v2 =	vld.idx.msk [tilespmem:v2+s30+$0x0], $0xffff;
	[tilespmem:s11+$0x10] =	vst v6  }
0x143: {  	v1 =	vld.idx.msk [tilespmem:v3+s30+$0x0], $0xffff;
	[tilespmem:s11+$0xFFFFFFE0] =	vst v7  }
0x144: {  	[tilespmem:s11+$0xFFFFFFF0] =	vst v11;
	v3 =	vld.idx.msk [tilespmem:v8+s30+$0x0], $0xffff  }
0x145: {  	[tilespmem:s11+$0x0] =	vst v9;
	v5 =	vld.idx.msk [tilespmem:v5+s30+$0x0], $0xffff  }
0x146: {  	[tilespmem:s7+$0xFFFFFFF0] =	vst v0;
	v0 =	vld.idx.msk [tilespmem:v4+s30+$0x0], $0xffff  }
0x147: {  	[tilespmem:s7+$0x0] =	vst v2;
	s7 =	sadd.s32 $0x40, s7  }
0x148: {  	[tilespmem:s7+$0x10] =	vst v1  }
0x149: {  	[tilespmem:s7+$0xFFFFFFE0] =	vst v3  }
0x14a: {  	[tilespmem:s7+$0xFFFFFFF0] =	vst v5  }
0x14b: {  	[tilespmem:s7+$0x0] =	vst v0  }
0x14c: {  	s7 =	rddreg [dreg:$0x12]  }
0x14d: {  	s8 =	sld [smem:$0x7FD]  }
0x14e: {  	[hbm4b:s7+s17] =	stream.strided.scatter [tilespmem:s3], [sflag:$0x4], $0x2000, s18, s17, $0x38;
	[tilespmem:$0x1C980] =	vst v63  }
0x14f: {  	_ = 	snop  }
0x150: {  	[hbm4b:s8+s17] =	stream.strided.scatter [tilespmem:s4], [sflag:$0x4], $0x2000, s18, s17, $0x38;
	[tilespmem:$0x1C980] =	vst v63  }
0x151: {  	_ = 	snop  }
0x152: {  	[hbm4b:s12+s17] =	stream.strided.scatter [tilespmem:s5], [sflag:$0x4], $0x2000, s18, s17, $0x38;
	[tilespmem:$0x1C980] =	vst v63  }
0x153: {  	_ =	swait.ge [sflag:s6], $0x2000  }
0x154: {  	[sflag:s6] =	ssyncset.done $0x0  }
0x155: {  	[sflag:s6] =	ssyncadd.s32 $0xFFFFE000  }
0x156: {  	_ =	swait.ge [sflag:s6], $0x2000  }
0x157: {  	[sflag:s6] =	ssyncset.done $0x0  }
0x158: {  	[sflag:s6] =	ssyncadd.s32 $0xFFFFE000  }
0x159: {  	_ =	swait.ge [sflag:s6], $0x2000  }
0x15a: {  	[sflag:s6] =	ssyncset.done $0x0  }
0x15b: {  	[sflag:s6] =	ssyncadd.s32 $0xFFFFE000  }
0x15c: {  	_ =	swait.ge [sflag:s6], $0x2000  }
0x15d: {  	[sflag:s6] =	ssyncset.done $0x0  }
0x15e: {  	[sflag:s6] =	ssyncadd.s32 $0xFFFFE000  }
0x15f: {  	_ =	swait.ge [sflag:s6], $0x2000  }
0x160: {  	[sflag:s6] =	ssyncset.done $0x0  }
0x161: {  	[sflag:s6] =	ssyncadd.s32 $0xFFFFE000  }
0x162: {  	_ =	swait.ge [sflag:s6], $0x2000  }
0x163: {  	[sflag:s6] =	ssyncset.done $0x0  }
0x164: {  	s9 =	rddreg [dreg:$0x17];
	[sflag:s6] =	ssyncadd.s32 $0xFFFFE000  }
0x165: {  	[tilespmem:s23], [sflag:$0x2] =	stream.strided.gather [hbm4b:s9+s17], $0x2000, s18, s17, $0x38;
	[tilespmem:$0x1C980] =	vst v63  }
0x166: {  	s11 =	rddreg [dreg:$0x18]  }
0x167: {  	[tilespmem:s24], [sflag:$0x2] =	stream.strided.gather [hbm4b:s11+s17], $0x2000, s18, s17, $0x38;
	[tilespmem:$0x1C980] =	vst v63  }
0x168: {  	s8 =	rddreg [dreg:$0x19]  }
0x169: {  	[tilespmem:s25], [sflag:$0x2] =	stream.strided.gather [hbm4b:s8+s17], $0x2000, s18, s17, $0x38;
	[tilespmem:$0x1C980] =	vst v63  }
0x16a: {  	s9 =	rddreg [dreg:$0x1a];
	s11 =	simm.s32 $0x14000  }
0x16b: {  	[tilespmem:s11], [sflag:$0x2] =	stream.strided.gather [hbm4b:s9+s17], $0x2000, s18, s17, $0x38;
	[tilespmem:$0x1C980] =	vst v63  }
0x16c: {  	_ =	swait.ge [sflag:s28], $0x2000  }
0x16d: {  	[sflag:s28] =	ssyncset.done $0x0  }
0x16e: {  	[sflag:s28] =	ssyncadd.s32 $0xFFFFE000  }
0x16f: {  	_ =	swait.ge [sflag:s28], $0x2000  }
0x170: {  	[sflag:s28] =	ssyncset.done $0x0  }
0x171: {  	[sflag:s28] =	ssyncadd.s32 $0xFFFFE000  }
0x172: {  	_ =	swait.ge [sflag:s28], $0x2000  }
0x173: {  	[sflag:s28] =	ssyncset.done $0x0  }
0x174: {  	[sflag:s28] =	ssyncadd.s32 $0xFFFFE000  }
0x175: {  	_ =	swait.ge [sflag:s28], $0x2000  }
0x176: {  	[sflag:s28] =	ssyncset.done $0x0  }
0x177: {  	s9 =	rddreg [dreg:$0x1b];
	[sflag:s28] =	ssyncadd.s32 $0xFFFFE000  }
0x178: {  	[hbm4b:s9+s17] =	stream.strided.scatter [tilespmem:s1], [sflag:$0x3], $0x2000, s18, s17, $0x38;
	[tilespmem:$0x1C980] =	vst v63  }
0x179: {  	s11 =	rddreg [dreg:$0x1c]  }
0x17a: {  	[hbm4b:s11+s17] =	stream.strided.scatter [tilespmem:s19], [sflag:$0x3], $0x2000, s18, s17, $0x38;
	[tilespmem:$0x1C980] =	vst v63  }
0x17b: {  	s8 =	rddreg [dreg:$0x1d];
	s9 =	simm.s32 $0x6020  }
0x17c: {  	[hbm4b:s8+s17] =	stream.strided.scatter [tilespmem:s20], [sflag:$0x3], $0x2000, s18, s17, $0x38;
	[tilespmem:$0x1C980] =	vst v63  }
0x17d: {  	v0 =	vld [tilespmem:s9+$0x10]  }
0x17e: {  	v1 =	vld [tilespmem:s9+$0xFFFFFFE0]  }
0x17f: {  	v2 =	vld [tilespmem:s9+$0xFFFFFFF0]  }
0x180: {  	v3 =	vld [tilespmem:s9+$0x0];
	_ =	sdelay $0x2  }
0x181: {  	v0 =	vtrunc.f32 v0  }
0x182: {  	v1 =	vtrunc.f32 v1;
	v2 =	vtrunc.f32 v2  }
0x183: {  	v3 =	vtrunc.f32 v3;
	v0 =	vcvt.f32.s32 v0  }
0x184: {  	v1 =	vcvt.f32.s32 v1;
	v2 =	vcvt.f32.s32 v2  }
0x185: {  	v3 =	vcvt.f32.s32 v3;
	vm0 =	vgt.s32 v0, $0x0  }
0x186: {  	s11 =	simm.s32 $0x6060;
	vm7 =	vgt.s32 v1, $0x0;
	vm1 =	vgt.s32 v2, $0x0;
	v0 =	vnsel vm0, $0x0, v0  }
0x187: {  	v4 =	vld [tilespmem:s11+$0x10];
	vm8 =	vgt.s32 v3, $0x0;
	v1 =	vnsel vm7, $0x0, v1;
	v0 =	vmin.u32 v0, $0xFF  }
0x188: {  	v2 =	vnsel vm1, $0x0, v2;
	v1 =	vmin.u32 v1, $0xFF;
	v0 =	vmul.u32 $0x3, v0  }
0x189: {  	v3 =	vnsel vm8, $0x0, v3;
	v2 =	vmin.u32 v2, $0xFF;
	v1 =	vmul.u32 $0x3, v1  }
0x18a: {  	v3 =	vmin.u32 v3, $0xFF;
	v2 =	vmul.u32 $0x3, v2  }
0x18b: {  	v6 =	vld [tilespmem:s11+$0xFFFFFFF0];
	v3 =	vmul.u32 $0x3, v3  }
0x18c: {  	v8 =	vld [tilespmem:s11+$0xFFFFFFE0];
	v4 =	vtrunc.f32 v4  }
0x18d: {  	v9 =	vld [tilespmem:s11+$0x0];
	v4 =	vcvt.f32.s32 v4  }
0x18e: {  	v5 =	vld.idx.msk [tilespmem:v0+s30+$0x0], $0xffff  }
0x18f: {  	vm9 =	vgt.s32 v4, $0x0;
	v7 =	vadd.s32 $0x1, v0;
	v10 =	vld.idx.msk [tilespmem:v1+s30+$0x0], $0xffff  }
0x190: {  	v4 =	vnsel vm9, $0x0, v4;
	v11 =	vadd.s32 $0x1, v1;
	v12 =	vld.idx.msk [tilespmem:v2+s30+$0x0], $0xffff  }
0x191: {  	v4 =	vmin.u32 v4, $0xFF;
	v13 =	vadd.s32 $0x1, v2;
	v15 =	vld.idx.msk [tilespmem:v3+s30+$0x0], $0xffff  }
0x192: {  	s8 =	simm.s32 $0x8020;
	s11 =	simm.s32 $0x60A0;
	v4 =	vmul.u32 $0x3, v4;
	v14 =	vadd.s32 $0x1, v3  }
0x193: {  	v18 =	vld [tilespmem:s11+$0xFFFFFFE0];
	[tilespmem:s8+$0x10] =	vst v5  }
0x194: {  	v5 =	vtrunc.f32 v6;
	[tilespmem:s8+$0xFFFFFFE0] =	vst v10;
	v6 =	vld.idx.msk [tilespmem:v7+s30+$0x0], $0xffff  }
0x195: {  	v0 =	vadd.s32 $0x2, v0;
	[tilespmem:s8+$0xFFFFFFF0] =	vst v12;
	v7 =	vtrunc.f32 v8;
	v8 =	vtrunc.f32 v9;
	v9 =	vld.idx.msk [tilespmem:v11+s30+$0x0], $0xffff  }
0x196: {  	[tilespmem:s8+$0x0] =	vst v15;
	v10 =	vld.idx.msk [tilespmem:v13+s30+$0x0], $0xffff;
	v7 =	vcvt.f32.s32 v7  }
0x197: {  	v5 =	vcvt.f32.s32 v5;
	v11 =	vld.idx.msk [tilespmem:v14+s30+$0x0], $0xffff;
	v8 =	vcvt.f32.s32 v8  }
0x198: {  	s9 =	simm.s32 $0xA020;
	v61 =	vadd.s32 $0x1, v4;
	v13 =	vld.idx.msk [tilespmem:v4+s30+$0x0], $0xffff;
	vm10 =	vgt.s32 v7, $0x0  }
0x199: {  	v14 =	vld [tilespmem:s11+$0xFFFFFFF0];
	vm11 =	vgt.s32 v5, $0x0;
	vm12 =	vgt.s32 v8, $0x0;
	v7 =	vnsel vm10, $0x0, v7;
	[tilespmem:s9+$0x10] =	vst v6  }
0x19a: {  	v5 =	vnsel vm11, $0x0, v5;
	v7 =	vmin.u32 v7, $0xFF;
	v6 =	vnsel vm12, $0x0, v8;
	v8 =	vld.idx.msk [tilespmem:v0+s30+$0x0], $0xffff  }
0x19b: {  	v5 =	vmin.u32 v5, $0xFF;
	v7 =	vmul.u32 $0x3, v7;
	v0 =	vmin.u32 v6, $0xFF;
	v6 =	vld [tilespmem:s11+$0x10]  }
0x19c: {  	v5 =	vmul.u32 $0x3, v5  }
0x19d: {  	s8 =	simm.s32 $0x8060;
	v12 =	vmul.u32 $0x3, v0  }
0x19e: {  	v15 =	vld [tilespmem:s11+$0x0];
	[tilespmem:s8+$0x10] =	vst v13  }
0x19f: {  	v17 =	vadd.s32 $0x2, v1;
	v14 =	vtrunc.f32 v14;
	[tilespmem:s9+$0x0] =	vst v11;
	v11 =	vtrunc.f32 v18  }
0x1a0: {  	v2 =	vadd.s32 $0x2, v2;
	[tilespmem:s9+$0xFFFFFFF0] =	vst v10;
	v10 =	vcvt.f32.s32 v14;
	v14 =	vld.idx.msk [tilespmem:v61+s30+$0x0], $0xffff;
	v1 =	vtrunc.f32 v6  }
0x1a1: {  	v3 =	vadd.s32 $0x2, v3;
	v11 =	vcvt.f32.s32 v11;
	v20 =	vld.idx.msk [tilespmem:v7+s30+$0x0], $0xffff;
	v6 =	vcvt.f32.s32 v1  }
0x1a2: {  	[tilespmem:s9+$0xFFFFFFE0] =	vst v9;
	v19 =	vadd.s32 $0x1, v5;
	v0 =	vadd.s32 $0x2, v5;
	v9 =	vadd.s32 $0x1, v7;
	v5 =	vld.idx.msk [tilespmem:v5+s30+$0x0], $0xffff  }
0x1a3: {  	v1 =	vadd.s32 $0x2, v7;
	v7 =	vtrunc.f32 v15;
	v13 =	vld.idx.msk [tilespmem:v12+s30+$0x0], $0xffff;
	vm13 =	vgt.s32 v6, $0x0  }
0x1a4: {  	s7 =	simm.s32 $0xC020;
	v62 =	vld.idx.msk [tilespmem:v17+s30+$0x0], $0xffff;
	v21 =	vadd.s32 $0x1, v12;
	v15 =	vcvt.f32.s32 v7;
	v7 =	vnsel vm13, $0x0, v6  }
0x1a5: {  	v63 =	vadd.s32 $0x2, v4;
	vm14 =	vgt.s32 v10, $0x0;
	[tilespmem:s7+$0x10] =	vst v8;
	v6 =	vld.idx.msk [tilespmem:v2+s30+$0x0], $0xffff;
	v4 =	vmin.u32 v7, $0xFF  }
0x1a6: {  	vm2 =	vgt.s32 v11, $0x0;
	vm15 =	vgt.s32 v15, $0x0;
	v7 =	vld.idx.msk [tilespmem:v3+s30+$0x0], $0xffff;
	[tilespmem:s8+$0xFFFFFFE0] =	vst v20;
	v3 =	vmul.u32 $0x3, v4  }
0x1a7: {  	v2 =	vadd.s32 $0x2, v12;
	[tilespmem:s8+$0xFFFFFFF0] =	vst v5;
	v5 =	vnsel vm15, $0x0, v15;
	v4 =	vnsel vm14, $0x0, v10;
	v8 =	vld.idx.msk [tilespmem:v9+s30+$0x0], $0xffff  }
0x1a8: {  	s9 =	simm.s32 $0xA060;
	v10 =	vnsel vm2, $0x0, v11;
	v11 =	vmin.u32 v5, $0xFF;
	v9 =	vld.idx.msk [tilespmem:v19+s30+$0x0], $0xffff;
	[tilespmem:s8+$0x0] =	vst v13;
	v4 =	vmin.u32 v4, $0xFF  }
0x1a9: {  	[tilespmem:s9+$0x10] =	vst v14;
	v10 =	vmin.u32 v10, $0xFF;
	v12 =	vld.idx.msk [tilespmem:v21+s30+$0x0], $0xffff;
	v5 =	vmul.u32 $0x3, v4;
	v4 =	vmul.u32 $0x3, v11  }
0x1aa: {  	s31 =	simm.s32 $0x8;
	s11 =	simm.s32 $0x60E0;
	[tilespmem:s7+$0xFFFFFFE0] =	vst v62;
	v11 =	vmul.u32 $0x3, v10;
	v10 =	vld.idx.msk [tilespmem:v63+s30+$0x0], $0xffff  }
.LBB2_8:
0x1ab: {  	v13 =	vld [tilespmem:s11+$0x10];
	s31 =	sadd.s32 $0x4, s31;
	v14 =	vadd.s32 $0x1, v5;
	v15 =	vadd.s32 $0x2, v5;
	v16 =	vadd.s32 $0x1, v4;
	[tilespmem:s7+$0xFFFFFFF0] =	vst v6  }
0x1ac: {  	v18 =	vadd.s32 $0x2, v4;
	p0 =	slt.u32 s31, $0x1FC;
	v17 =	vadd.s32 $0x1, v11;
	v6 =	vadd.s32 $0x2, v11;
	v19 =	vld.idx.msk [tilespmem:v3+s30+$0x0], $0xffff;
	[tilespmem:s7+$0x0] =	vst v7  }
0x1ad: {  	v7 =	vld [tilespmem:s11+$0xFFFFFFF0];
	[tilespmem:s9+$0xFFFFFFE0] =	vst v8  }
0x1ae: {  	v20 =	vadd.s32 $0x1, v3;
	v8 =	vld [tilespmem:s11+$0x0];
	[tilespmem:s9+$0xFFFFFFF0] =	vst v9  }
0x1af: {  	s7 =	sadd.s32 $0x40, s7;
	v9 =	vld [tilespmem:s11+$0xFFFFFFE0];
	[tilespmem:s9+$0x0] =	vst v12  }
0x1b0: {  	v12 =	vtrunc.f32 v13;
	v11 =	vld.idx.msk [tilespmem:v11+s30+$0x0], $0xffff;
	[tilespmem:s7+$0x10] =	vst v10  }
0x1b1: {  	s8 =	sadd.s32 $0x40, s8;
	v10 =	vcvt.f32.s32 v12;
	v5 =	vld.idx.msk [tilespmem:v5+s30+$0x0], $0xffff  }
0x1b2: {  	v7 =	vtrunc.f32 v7;
	v4 =	vld.idx.msk [tilespmem:v4+s30+$0x0], $0xffff;
	[tilespmem:s8+$0x10] =	vst v19  }
0x1b3: {  	v12 =	vcvt.f32.s32 v7;
	v7 =	vtrunc.f32 v8;
	vm0 =	vgt.s32 v10, $0x0;
	v13 =	vld.idx.msk [tilespmem:v20+s30+$0x0], $0xffff  }
0x1b4: {  	v8 =	vtrunc.f32 v9;
	v9 =	vcvt.f32.s32 v7;
	v7 =	vnsel vm0, $0x0, v10;
	v19 =	vld.idx.msk [tilespmem:v1+s30+$0x0], $0xffff;
	v1 =	vmovc v6  }
0x1b5: {  	v20 =	vadd.s32 $0x2, v3;
	v10 =	vcvt.f32.s32 v8;
	v7 =	vmin.u32 v7, $0xFF;
	v6 =	vld.idx.msk [tilespmem:v0+s30+$0x0], $0xffff;
	v0 =	vmovc v15  }
.Ltmp3:
0x1b6: {  	vm0 =	vgt.s32 v12, $0x0;
	vm1 =	vgt.s32 v9, $0x0;
	v3 =	vmul.u32 $0x3, v7;
	[tilespmem:s8+$0xFFFFFFE0] =	vst v11;
	v7 =	vld.idx.msk [tilespmem:v2+s30+$0x0], $0xffff;
	v2 =	vmovc v18;
	(pc) =	sbr.rel @p0 .LBB2_8-.Ltmp3, $4  }
0x1b7: {  	v11 =	vnsel vm0, $0x0, v12;
	vm2 =	vgt.s32 v10, $0x0;
	v9 =	vnsel vm1, $0x0, v9;
	v8 =	vld.idx.msk [tilespmem:v17+s30+$0x0], $0xffff;
	[tilespmem:s8+$0xFFFFFFF0] =	vst v5  }
0x1b8: {  	s9 =	sadd.s32 $0x40, s9;
	v5 =	vnsel vm2, $0x0, v10;
	v10 =	vmin.u32 v11, $0xFF;
	v11 =	vmin.u32 v9, $0xFF;
	v9 =	vld.idx.msk [tilespmem:v14+s30+$0x0], $0xffff;
	[tilespmem:s8+$0x0] =	vst v4  }
0x1b9: {  	v14 =	vmin.u32 v5, $0xFF;
	v5 =	vmul.u32 $0x3, v10;
	v4 =	vmul.u32 $0x3, v11;
	v12 =	vld.idx.msk [tilespmem:v16+s30+$0x0], $0xffff;
	[tilespmem:s9+$0x10] =	vst v13  }
0x1ba: {  	s11 =	sadd.s32 $0x40, s11;
	v11 =	vmul.u32 $0x3, v14;
	v10 =	vld.idx.msk [tilespmem:v20+s30+$0x0], $0xffff;
	[tilespmem:s7+$0xFFFFFFE0] =	vst v19  }
0x1bb: {  	_ =	sdelay $0x3  }
0x1bc: {  	v13 =	vld.idx.msk [tilespmem:v3+s30+$0x0], $0xffff;
	[tilespmem:s7+$0xFFFFFFF0] =	vst v6  }
0x1bd: {  	v6 =	vadd.s32 $0x1, v3;
	[tilespmem:s7+$0x0] =	vst v7;
	v7 =	vld.idx.msk [tilespmem:v11+s30+$0x0], $0xffff  }
0x1be: {  	v14 =	vadd.s32 $0x1, v11;
	[tilespmem:s9+$0xFFFFFFE0] =	vst v8;
	v8 =	vld.idx.msk [tilespmem:v5+s30+$0x0], $0xffff  }
0x1bf: {  	v15 =	vadd.s32 $0x1, v5;
	[tilespmem:s9+$0xFFFFFFF0] =	vst v9;
	v9 =	vld.idx.msk [tilespmem:v4+s30+$0x0], $0xffff  }
0x1c0: {  	s8 =	sadd.s32 $0x40, s8;
	v16 =	vadd.s32 $0x1, v4;
	[tilespmem:s9+$0x0] =	vst v12  }
0x1c1: {  	v1 =	vld.idx.msk [tilespmem:v1+s30+$0x0], $0xffff;
	[tilespmem:s8+$0x10] =	vst v13  }
0x1c2: {  	v6 =	vld.idx.msk [tilespmem:v6+s30+$0x0], $0xffff;
	[tilespmem:s8+$0xFFFFFFE0] =	vst v7  }
0x1c3: {  	v3 =	vadd.s32 $0x2, v3;
	[tilespmem:s8+$0xFFFFFFF0] =	vst v8;
	v7 =	vld.idx.msk [tilespmem:v14+s30+$0x0], $0xffff  }
0x1c4: {  	s11 =	sadd.s32 $0x40, s7;
	v8 =	vadd.s32 $0x2, v11;
	v11 =	vld.idx.msk [tilespmem:v15+s30+$0x0], $0xffff;
	[tilespmem:s8+$0x0] =	vst v9  }
0x1c5: {  	v5 =	vadd.s32 $0x2, v5;
	[tilespmem:s11+$0x10] =	vst v10;
	v9 =	vld.idx.msk [tilespmem:v16+s30+$0x0], $0xffff  }
0x1c6: {  	v4 =	vadd.s32 $0x2, v4;
	s9 =	sadd.s32 $0x40, s9;
	v0 =	vld.idx.msk [tilespmem:v0+s30+$0x0], $0xffff;
	[tilespmem:s11+$0xFFFFFFE0] =	vst v1  }
0x1c7: {  	v2 =	vld.idx.msk [tilespmem:v2+s30+$0x0], $0xffff;
	[tilespmem:s9+$0x10] =	vst v6  }
0x1c8: {  	v1 =	vld.idx.msk [tilespmem:v3+s30+$0x0], $0xffff;
	[tilespmem:s9+$0xFFFFFFE0] =	vst v7  }
0x1c9: {  	[tilespmem:s9+$0xFFFFFFF0] =	vst v11;
	v3 =	vld.idx.msk [tilespmem:v8+s30+$0x0], $0xffff  }
0x1ca: {  	[tilespmem:s9+$0x0] =	vst v9;
	v5 =	vld.idx.msk [tilespmem:v5+s30+$0x0], $0xffff  }
0x1cb: {  	[tilespmem:s11+$0xFFFFFFF0] =	vst v0;
	v0 =	vld.idx.msk [tilespmem:v4+s30+$0x0], $0xffff  }
0x1cc: {  	s7 =	sadd.s32 $0x40, s11;
	[tilespmem:s11+$0x0] =	vst v2  }
0x1cd: {  	[tilespmem:s7+$0x10] =	vst v1  }
0x1ce: {  	[tilespmem:s7+$0xFFFFFFE0] =	vst v3  }
0x1cf: {  	[tilespmem:s7+$0xFFFFFFF0] =	vst v5  }
0x1d0: {  	[tilespmem:s7+$0x0] =	vst v0  }
0x1d1: {  	s11 =	simm.s32 $0x8000;
	s7 =	rddreg [dreg:$0x1e]  }
0x1d2: {  	[hbm4b:s7+s17] =	stream.strided.scatter [tilespmem:s11], [sflag:$0x3], $0x2000, s18, s17, $0x38;
	[tilespmem:$0x1C980] =	vst v63  }
0x1d3: {  	_ = 	snop  }
0x1d4: {  	[hbm4b:s13+s17] =	stream.strided.scatter [tilespmem:s29], [sflag:$0x3], $0x2000, s18, s17, $0x38;
	[tilespmem:$0x1C980] =	vst v63  }
0x1d5: {  	_ = 	snop  }
0x1d6: {  	[hbm4b:s14+s17] =	stream.strided.scatter [tilespmem:s21], [sflag:$0x3], $0x2000, s18, s17, $0x38;
	[tilespmem:$0x1C980] =	vst v63  }
0x1d7: {  	_ =	swait.ge [sflag:s2], $0x2000  }
0x1d8: {  	[sflag:s2] =	ssyncset.done $0x0  }
0x1d9: {  	[sflag:s2] =	ssyncadd.s32 $0xFFFFE000  }
0x1da: {  	_ =	swait.ge [sflag:s2], $0x2000  }
0x1db: {  	[sflag:s2] =	ssyncset.done $0x0  }
0x1dc: {  	[sflag:s2] =	ssyncadd.s32 $0xFFFFE000  }
0x1dd: {  	_ =	swait.ge [sflag:s2], $0x2000  }
0x1de: {  	[sflag:s2] =	ssyncset.done $0x0  }
0x1df: {  	[sflag:s2] =	ssyncadd.s32 $0xFFFFE000  }
0x1e0: {  	_ =	swait.ge [sflag:s2], $0x2000  }
0x1e1: {  	[sflag:s2] =	ssyncset.done $0x0;
	s9 =	rddreg [dreg:$0x1f]  }
0x1e2: {  	s11 =	sld [smem:$0x7F4];
	[sflag:s2] =	ssyncadd.s32 $0xFFFFE000  }
0x1e3: {  	[hbm4b:s9+s17] =	stream.strided.scatter [tilespmem:s23], [sflag:$0x4], $0x2000, s18, s17, $0x38;
	[tilespmem:$0x1C980] =	vst v63  }
0x1e4: {  	s8 =	sld [smem:$0x7F5]  }
0x1e5: {  	[hbm4b:s11+s17] =	stream.strided.scatter [tilespmem:s24], [sflag:$0x4], $0x2000, s18, s17, $0x38;
	[tilespmem:$0x1C980] =	vst v63  }
0x1e6: {  	s9 =	simm.s32 $0x14020  }
0x1e7: {  	[hbm4b:s8+s17] =	stream.strided.scatter [tilespmem:s25], [sflag:$0x4], $0x2000, s18, s17, $0x38;
	[tilespmem:$0x1C980] =	vst v63  }
0x1e8: {  	v0 =	vld [tilespmem:s9+$0x10]  }
0x1e9: {  	v1 =	vld [tilespmem:s9+$0xFFFFFFE0]  }
0x1ea: {  	v2 =	vld [tilespmem:s9+$0xFFFFFFF0]  }
0x1eb: {  	v3 =	vld [tilespmem:s9+$0x0];
	_ =	sdelay $0x2  }
0x1ec: {  	v0 =	vtrunc.f32 v0  }
0x1ed: {  	v1 =	vtrunc.f32 v1;
	v2 =	vtrunc.f32 v2  }
0x1ee: {  	v3 =	vtrunc.f32 v3;
	v0 =	vcvt.f32.s32 v0  }
0x1ef: {  	v1 =	vcvt.f32.s32 v1;
	v2 =	vcvt.f32.s32 v2  }
0x1f0: {  	v3 =	vcvt.f32.s32 v3;
	vm0 =	vgt.s32 v0, $0x0  }
0x1f1: {  	s11 =	simm.s32 $0x14060;
	vm7 =	vgt.s32 v1, $0x0;
	vm1 =	vgt.s32 v2, $0x0;
	v0 =	vnsel vm0, $0x0, v0  }
0x1f2: {  	v4 =	vld [tilespmem:s11+$0x10];
	vm8 =	vgt.s32 v3, $0x0;
	v1 =	vnsel vm7, $0x0, v1;
	v0 =	vmin.u32 v0, $0xFF  }
0x1f3: {  	v2 =	vnsel vm1, $0x0, v2;
	v1 =	vmin.u32 v1, $0xFF;
	v0 =	vmul.u32 $0x3, v0  }
0x1f4: {  	v3 =	vnsel vm8, $0x0, v3;
	v2 =	vmin.u32 v2, $0xFF;
	v1 =	vmul.u32 $0x3, v1  }
0x1f5: {  	v3 =	vmin.u32 v3, $0xFF;
	v2 =	vmul.u32 $0x3, v2  }
0x1f6: {  	v6 =	vld [tilespmem:s11+$0xFFFFFFF0];
	v3 =	vmul.u32 $0x3, v3  }
0x1f7: {  	v8 =	vld [tilespmem:s11+$0xFFFFFFE0];
	v4 =	vtrunc.f32 v4  }
0x1f8: {  	v9 =	vld [tilespmem:s11+$0x0];
	v4 =	vcvt.f32.s32 v4  }
0x1f9: {  	v5 =	vld.idx.msk [tilespmem:v0+s30+$0x0], $0xffff  }
0x1fa: {  	vm9 =	vgt.s32 v4, $0x0;
	v7 =	vadd.s32 $0x1, v0;
	v10 =	vld.idx.msk [tilespmem:v1+s30+$0x0], $0xffff  }
0x1fb: {  	v4 =	vnsel vm9, $0x0, v4;
	v11 =	vadd.s32 $0x1, v1;
	v12 =	vld.idx.msk [tilespmem:v2+s30+$0x0], $0xffff  }
0x1fc: {  	v4 =	vmin.u32 v4, $0xFF;
	v13 =	vadd.s32 $0x1, v2;
	v15 =	vld.idx.msk [tilespmem:v3+s30+$0x0], $0xffff  }
0x1fd: {  	s8 =	simm.s32 $0x16020;
	s11 =	simm.s32 $0x140A0;
	v4 =	vmul.u32 $0x3, v4;
	v14 =	vadd.s32 $0x1, v3  }
0x1fe: {  	v18 =	vld [tilespmem:s11+$0xFFFFFFE0];
	[tilespmem:s8+$0x10] =	vst v5  }
0x1ff: {  	v5 =	vtrunc.f32 v6;
	[tilespmem:s8+$0xFFFFFFE0] =	vst v10;
	v6 =	vld.idx.msk [tilespmem:v7+s30+$0x0], $0xffff  }
0x200: {  	v0 =	vadd.s32 $0x2, v0;
	[tilespmem:s8+$0xFFFFFFF0] =	vst v12;
	v7 =	vtrunc.f32 v8;
	v8 =	vtrunc.f32 v9;
	v9 =	vld.idx.msk [tilespmem:v11+s30+$0x0], $0xffff  }
0x201: {  	[tilespmem:s8+$0x0] =	vst v15;
	v10 =	vld.idx.msk [tilespmem:v13+s30+$0x0], $0xffff;
	v7 =	vcvt.f32.s32 v7  }
0x202: {  	v5 =	vcvt.f32.s32 v5;
	v11 =	vld.idx.msk [tilespmem:v14+s30+$0x0], $0xffff;
	v8 =	vcvt.f32.s32 v8  }
0x203: {  	s9 =	simm.s32 $0x18020;
	v61 =	vadd.s32 $0x1, v4;
	v13 =	vld.idx.msk [tilespmem:v4+s30+$0x0], $0xffff;
	vm10 =	vgt.s32 v7, $0x0  }
0x204: {  	v14 =	vld [tilespmem:s11+$0xFFFFFFF0];
	vm11 =	vgt.s32 v5, $0x0;
	vm12 =	vgt.s32 v8, $0x0;
	v7 =	vnsel vm10, $0x0, v7;
	[tilespmem:s9+$0x10] =	vst v6  }
0x205: {  	v5 =	vnsel vm11, $0x0, v5;
	v7 =	vmin.u32 v7, $0xFF;
	v6 =	vnsel vm12, $0x0, v8;
	v8 =	vld.idx.msk [tilespmem:v0+s30+$0x0], $0xffff  }
0x206: {  	v5 =	vmin.u32 v5, $0xFF;
	v7 =	vmul.u32 $0x3, v7;
	v0 =	vmin.u32 v6, $0xFF;
	v6 =	vld [tilespmem:s11+$0x10]  }
0x207: {  	v5 =	vmul.u32 $0x3, v5  }
0x208: {  	s8 =	simm.s32 $0x16060;
	v12 =	vmul.u32 $0x3, v0  }
0x209: {  	v15 =	vld [tilespmem:s11+$0x0];
	[tilespmem:s8+$0x10] =	vst v13  }
0x20a: {  	v17 =	vadd.s32 $0x2, v1;
	v14 =	vtrunc.f32 v14;
	[tilespmem:s9+$0x0] =	vst v11;
	v11 =	vtrunc.f32 v18  }
0x20b: {  	v2 =	vadd.s32 $0x2, v2;
	[tilespmem:s9+$0xFFFFFFF0] =	vst v10;
	v10 =	vcvt.f32.s32 v14;
	v14 =	vld.idx.msk [tilespmem:v61+s30+$0x0], $0xffff;
	v1 =	vtrunc.f32 v6  }
0x20c: {  	v3 =	vadd.s32 $0x2, v3;
	v11 =	vcvt.f32.s32 v11;
	v20 =	vld.idx.msk [tilespmem:v7+s30+$0x0], $0xffff;
	v6 =	vcvt.f32.s32 v1  }
0x20d: {  	[tilespmem:s9+$0xFFFFFFE0] =	vst v9;
	v19 =	vadd.s32 $0x1, v5;
	v0 =	vadd.s32 $0x2, v5;
	v9 =	vadd.s32 $0x1, v7;
	v5 =	vld.idx.msk [tilespmem:v5+s30+$0x0], $0xffff  }
0x20e: {  	v1 =	vadd.s32 $0x2, v7;
	v7 =	vtrunc.f32 v15;
	v13 =	vld.idx.msk [tilespmem:v12+s30+$0x0], $0xffff;
	vm13 =	vgt.s32 v6, $0x0  }
0x20f: {  	s7 =	simm.s32 $0x1A020;
	v62 =	vld.idx.msk [tilespmem:v17+s30+$0x0], $0xffff;
	v21 =	vadd.s32 $0x1, v12;
	v15 =	vcvt.f32.s32 v7;
	v7 =	vnsel vm13, $0x0, v6  }
0x210: {  	v63 =	vadd.s32 $0x2, v4;
	vm14 =	vgt.s32 v10, $0x0;
	[tilespmem:s7+$0x10] =	vst v8;
	v6 =	vld.idx.msk [tilespmem:v2+s30+$0x0], $0xffff;
	v4 =	vmin.u32 v7, $0xFF  }
0x211: {  	vm2 =	vgt.s32 v11, $0x0;
	vm15 =	vgt.s32 v15, $0x0;
	v7 =	vld.idx.msk [tilespmem:v3+s30+$0x0], $0xffff;
	[tilespmem:s8+$0xFFFFFFE0] =	vst v20;
	v3 =	vmul.u32 $0x3, v4  }
0x212: {  	v2 =	vadd.s32 $0x2, v12;
	[tilespmem:s8+$0xFFFFFFF0] =	vst v5;
	v5 =	vnsel vm15, $0x0, v15;
	v4 =	vnsel vm14, $0x0, v10;
	v8 =	vld.idx.msk [tilespmem:v9+s30+$0x0], $0xffff  }
0x213: {  	s9 =	simm.s32 $0x18060;
	v10 =	vnsel vm2, $0x0, v11;
	v11 =	vmin.u32 v5, $0xFF;
	v9 =	vld.idx.msk [tilespmem:v19+s30+$0x0], $0xffff;
	[tilespmem:s8+$0x0] =	vst v13;
	v4 =	vmin.u32 v4, $0xFF  }
0x214: {  	[tilespmem:s9+$0x10] =	vst v14;
	v10 =	vmin.u32 v10, $0xFF;
	v12 =	vld.idx.msk [tilespmem:v21+s30+$0x0], $0xffff;
	v5 =	vmul.u32 $0x3, v4;
	v4 =	vmul.u32 $0x3, v11  }
0x215: {  	s31 =	simm.s32 $0x8;
	s11 =	simm.s32 $0x140E0;
	[tilespmem:s7+$0xFFFFFFE0] =	vst v62;
	v11 =	vmul.u32 $0x3, v10;
	v10 =	vld.idx.msk [tilespmem:v63+s30+$0x0], $0xffff  }
.LBB2_10:
0x216: {  	v13 =	vld [tilespmem:s11+$0x10];
	s31 =	sadd.s32 $0x4, s31;
	v14 =	vadd.s32 $0x1, v5;
	v15 =	vadd.s32 $0x2, v5;
	v16 =	vadd.s32 $0x1, v4;
	[tilespmem:s7+$0xFFFFFFF0] =	vst v6  }
0x217: {  	v18 =	vadd.s32 $0x2, v4;
	p0 =	slt.u32 s31, $0x1FC;
	v17 =	vadd.s32 $0x1, v11;
	v6 =	vadd.s32 $0x2, v11;
	v19 =	vld.idx.msk [tilespmem:v3+s30+$0x0], $0xffff;
	[tilespmem:s7+$0x0] =	vst v7  }
0x218: {  	v7 =	vld [tilespmem:s11+$0xFFFFFFF0];
	[tilespmem:s9+$0xFFFFFFE0] =	vst v8  }
0x219: {  	v20 =	vadd.s32 $0x1, v3;
	v8 =	vld [tilespmem:s11+$0x0];
	[tilespmem:s9+$0xFFFFFFF0] =	vst v9  }
0x21a: {  	s7 =	sadd.s32 $0x40, s7;
	v9 =	vld [tilespmem:s11+$0xFFFFFFE0];
	[tilespmem:s9+$0x0] =	vst v12  }
0x21b: {  	v12 =	vtrunc.f32 v13;
	v11 =	vld.idx.msk [tilespmem:v11+s30+$0x0], $0xffff;
	[tilespmem:s7+$0x10] =	vst v10  }
0x21c: {  	s8 =	sadd.s32 $0x40, s8;
	v10 =	vcvt.f32.s32 v12;
	v5 =	vld.idx.msk [tilespmem:v5+s30+$0x0], $0xffff  }
0x21d: {  	v7 =	vtrunc.f32 v7;
	v4 =	vld.idx.msk [tilespmem:v4+s30+$0x0], $0xffff;
	[tilespmem:s8+$0x10] =	vst v19  }
0x21e: {  	v12 =	vcvt.f32.s32 v7;
	v7 =	vtrunc.f32 v8;
	vm0 =	vgt.s32 v10, $0x0;
	v13 =	vld.idx.msk [tilespmem:v20+s30+$0x0], $0xffff  }
0x21f: {  	v8 =	vtrunc.f32 v9;
	v9 =	vcvt.f32.s32 v7;
	v7 =	vnsel vm0, $0x0, v10;
	v19 =	vld.idx.msk [tilespmem:v1+s30+$0x0], $0xffff;
	v1 =	vmovc v6  }
0x220: {  	v20 =	vadd.s32 $0x2, v3;
	v10 =	vcvt.f32.s32 v8;
	v7 =	vmin.u32 v7, $0xFF;
	v6 =	vld.idx.msk [tilespmem:v0+s30+$0x0], $0xffff;
	v0 =	vmovc v15  }
.Ltmp4:
0x221: {  	vm0 =	vgt.s32 v12, $0x0;
	vm1 =	vgt.s32 v9, $0x0;
	v3 =	vmul.u32 $0x3, v7;
	[tilespmem:s8+$0xFFFFFFE0] =	vst v11;
	v7 =	vld.idx.msk [tilespmem:v2+s30+$0x0], $0xffff;
	v2 =	vmovc v18;
	(pc) =	sbr.rel @p0 .LBB2_10-.Ltmp4, $4  }
0x222: {  	v11 =	vnsel vm0, $0x0, v12;
	vm2 =	vgt.s32 v10, $0x0;
	v9 =	vnsel vm1, $0x0, v9;
	v8 =	vld.idx.msk [tilespmem:v17+s30+$0x0], $0xffff;
	[tilespmem:s8+$0xFFFFFFF0] =	vst v5  }
0x223: {  	s9 =	sadd.s32 $0x40, s9;
	v5 =	vnsel vm2, $0x0, v10;
	v10 =	vmin.u32 v11, $0xFF;
	v11 =	vmin.u32 v9, $0xFF;
	v9 =	vld.idx.msk [tilespmem:v14+s30+$0x0], $0xffff;
	[tilespmem:s8+$0x0] =	vst v4  }
0x224: {  	v14 =	vmin.u32 v5, $0xFF;
	v5 =	vmul.u32 $0x3, v10;
	v4 =	vmul.u32 $0x3, v11;
	v12 =	vld.idx.msk [tilespmem:v16+s30+$0x0], $0xffff;
	[tilespmem:s9+$0x10] =	vst v13  }
0x225: {  	s11 =	sadd.s32 $0x40, s11;
	v11 =	vmul.u32 $0x3, v14;
	v10 =	vld.idx.msk [tilespmem:v20+s30+$0x0], $0xffff;
	[tilespmem:s7+$0xFFFFFFE0] =	vst v19  }
0x226: {  	_ =	sdelay $0x3  }
0x227: {  	v13 =	vld.idx.msk [tilespmem:v3+s30+$0x0], $0xffff;
	[tilespmem:s7+$0xFFFFFFF0] =	vst v6  }
0x228: {  	v52 =	vadd.s32 $0x1, v3;
	[tilespmem:s7+$0x0] =	vst v7;
	v54 =	vld.idx.msk [tilespmem:v5+s30+$0x0], $0xffff  }
0x229: {  	v15 =	vadd.s32 $0x1, v5;
	v55 =	vld.idx.msk [tilespmem:v4+s30+$0x0], $0xffff;
	[tilespmem:s9+$0xFFFFFFE0] =	vst v8  }
0x22a: {  	v16 =	vadd.s32 $0x1, v4;
	v53 =	vld.idx.msk [tilespmem:v11+s30+$0x0], $0xffff;
	[tilespmem:s9+$0xFFFFFFF0] =	vst v9  }
0x22b: {  	s8 =	sadd.s32 $0x40, s8;
	v14 =	vadd.s32 $0x1, v11;
	[tilespmem:s9+$0x0] =	vst v12  }
0x22c: {  	v1 =	vld.idx.msk [tilespmem:v1+s30+$0x0], $0xffff;
	[tilespmem:s8+$0x10] =	vst v13  }
0x22d: {  	[tilespmem:s8+$0xFFFFFFF0] =	vst v54;
	v6 =	vld.idx.msk [tilespmem:v52+s30+$0x0], $0xffff  }
0x22e: {  	v56 =	vadd.s32 $0x2, v3;
	[tilespmem:s8+$0x0] =	vst v55;
	v58 =	vld.idx.msk [tilespmem:v15+s30+$0x0], $0xffff  }
0x22f: {  	s31 =	sadd.s32 $0x40, s7;
	v59 =	vadd.s32 $0x2, v5;
	[tilespmem:s8+$0xFFFFFFE0] =	vst v53;
	v9 =	vld.idx.msk [tilespmem:v16+s30+$0x0], $0xffff  }
0x230: {  	v60 =	vadd.s32 $0x2, v4;
	[tilespmem:s31+$0x10] =	vst v10;
	v7 =	vld.idx.msk [tilespmem:v14+s30+$0x0], $0xffff  }
0x231: {  	s11 =	sadd.s32 $0x40, s9;
	v57 =	vadd.s32 $0x2, v11;
	v0 =	vld.idx.msk [tilespmem:v0+s30+$0x0], $0xffff;
	[tilespmem:s31+$0xFFFFFFE0] =	vst v1  }
0x232: {  	v2 =	vld.idx.msk [tilespmem:v2+s30+$0x0], $0xffff;
	[tilespmem:s11+$0x10] =	vst v6  }
0x233: {  	[tilespmem:s11+$0xFFFFFFF0] =	vst v58;
	v61 =	vld.idx.msk [tilespmem:v56+s30+$0x0], $0xffff  }
0x234: {  	[tilespmem:s11+$0x0] =	vst v9;
	v5 =	vld.idx.msk [tilespmem:v59+s30+$0x0], $0xffff  }
0x235: {  	[tilespmem:s11+$0xFFFFFFE0] =	vst v7;
	v63 =	vld.idx.msk [tilespmem:v60+s30+$0x0], $0xffff  }
0x236: {  	[tilespmem:s31+$0xFFFFFFF0] =	vst v0;
	v62 =	vld.idx.msk [tilespmem:v57+s30+$0x0], $0xffff  }
0x237: {  	s7 =	sadd.s32 $0x40, s31;
	[tilespmem:s31+$0x0] =	vst v2  }
0x238: {  	[tilespmem:s7+$0x10] =	vst v61  }
0x239: {  	[tilespmem:s7+$0xFFFFFFF0] =	vst v5  }
0x23a: {  	[tilespmem:s7+$0x0] =	vst v63  }
0x23b: {  	[tilespmem:s7+$0xFFFFFFE0] =	vst v62  }
0x23c: {  	s7 =	sld [smem:$0x7F6];
	_ =	sdelay $0x2  }
0x23d: {  	[hbm4b:s7+s17] =	stream.strided.scatter [tilespmem:s3], [sflag:$0x4], $0x2000, s18, s17, $0x38;
	[tilespmem:$0x1C980] =	vst v63  }
0x23e: {  	_ = 	snop  }
0x23f: {  	[hbm4b:s15+s17] =	stream.strided.scatter [tilespmem:s4], [sflag:$0x4], $0x2000, s18, s17, $0x38;
	[tilespmem:$0x1C980] =	vst v63  }
0x240: {  	_ = 	snop  }
0x241: {  	[hbm4b:s16+s17] =	stream.strided.scatter [tilespmem:s5], [sflag:$0x4], $0x2000, s18, s17, $0x38;
	[tilespmem:$0x1C980] =	vst v63  }
0x242: {  	_ =	swait.ge [sflag:s0], $0x2000  }
0x243: {  	[sflag:s0] =	ssyncset.done $0x0  }
0x244: {  	[sflag:s0] =	ssyncadd.s32 $0xFFFFE000  }
0x245: {  	_ =	swait.ge [sflag:s0], $0x2000  }
0x246: {  	[sflag:s0] =	ssyncset.done $0x0  }
0x247: {  	[sflag:s0] =	ssyncadd.s32 $0xFFFFE000  }
0x248: {  	_ =	swait.ge [sflag:s0], $0x2000  }
0x249: {  	[sflag:s0] =	ssyncset.done $0x0  }
0x24a: {  	[sflag:s0] =	ssyncadd.s32 $0xFFFFE000  }
0x24b: {  	_ =	swait.ge [sflag:s0], $0x2000  }
0x24c: {  	[sflag:s0] =	ssyncset.done $0x0  }
0x24d: {  	[sflag:s0] =	ssyncadd.s32 $0xFFFFE000  }
0x24e: {  	_ =	swait.ge [sflag:s0], $0x2000  }
0x24f: {  	[sflag:s0] =	ssyncset.done $0x0  }
0x250: {  	[sflag:s0] =	ssyncadd.s32 $0xFFFFE000  }
0x251: {  	_ =	swait.ge [sflag:s0], $0x2000  }
0x252: {  	[sflag:s0] =	ssyncset.done $0x0  }
0x253: {  	[sflag:s0] =	ssyncadd.s32 $0xFFFFE000  }
0x254: {  	_ =	swait.ge [sflag:s6], $0x2000  }
0x255: {  	[sflag:s6] =	ssyncset.done $0x0  }
0x256: {  	[sflag:s6] =	ssyncadd.s32 $0xFFFFE000  }
0x257: {  	_ =	swait.ge [sflag:s6], $0x2000  }
0x258: {  	[sflag:s6] =	ssyncset.done $0x0  }
0x259: {  	[sflag:s6] =	ssyncadd.s32 $0xFFFFE000  }
0x25a: {  	_ =	swait.ge [sflag:s6], $0x2000  }
0x25b: {  	[sflag:s6] =	ssyncset.done $0x0  }
0x25c: {  	[sflag:s6] =	ssyncadd.s32 $0xFFFFE000  }
0x25d: {  	_ =	swait.ge [sflag:s6], $0x2000  }
0x25e: {  	[sflag:s6] =	ssyncset.done $0x0  }
0x25f: {  	[sflag:s6] =	ssyncadd.s32 $0xFFFFE000  }
0x260: {  	_ =	swait.ge [sflag:s6], $0x2000  }
0x261: {  	[sflag:s6] =	ssyncset.done $0x0  }
0x262: {  	[sflag:s6] =	ssyncadd.s32 $0xFFFFE000  }
0x263: {  	_ =	swait.ge [sflag:s6], $0x2000  }
0x264: {  	s31 =	sld [smem:$0x7FA];
	_ =	sdelay $0x1  }
0x265: {  	s26 =	sadd.s32 $0x1, s26  }
0x266: {  	p0 =	sne.s32 s26, s31  }
.Ltmp5:
0x267: {  	_ = 	snop;
	(pc) =	sbr.rel @p0 .LBB2_1-.Ltmp5, $3  }
0x268: {  	_ =	sdelay $0x1  }
0x269: {  	[sflag:s6] =	ssyncset.done $0x0  }
0x26a: {  	[sflag:s6] =	ssyncadd.s32 $0xFFFFE000  }
0x26b: {  	_ =	sfence.sel $0x180000  }
0x26c: {  	[bflag:$0x0] =	sbarrier.arrive $0xFFFF  }
0x26d: {  	_ =	strace $0x90000047  }
0x26e: {  	s0 =	stileid.u32;
	[bflag:$0x2] =	sbarrier.arrive $0xFFFF  }
0x26f: {  	p0 =	sne.s32 s0, $0x0;
	s0 =	rddreg [dreg:$0x3]  }
0x270: {  	s0 =	sadd.s32 @!p0 $0x100000, s0  }
0x271: {  	[sflag:s0] =	ssyncadd.tile.s32 @!p0 $0x1;
	_ =	shalt  }
.Lfunc_end2:
_tile_overlayer_lowered:
.L_overlay_start_2:
0x272: {  	(tag) =	ssettag $0x2  }
0x273: {  	s0 =	rddreg [dreg:$0x0];
	s2 =	stileid.u32  }
0x274: {  	s1 =	rddreg [dreg:$0x1];
	p0 =	sne.s32 s2, $0x0  }
0x275: {  	s3 =	rddreg [dreg:$0x2];
	[bflag:$0x3] =	sbarrier.arrive $0xFFFF;
	s2 =	simm.s32 @!p0 $0x1C05  }
0x276: {  	[timem:s3], [sflag:s2] =	dma.local @!p0 [hbm:s0], s1  }
0x277: {  	s0 =	simm.s32 @!p0 $0x5  }
0x278: {  	_ =	swait.ge @!p0 [sflag:s0], s1  }
0x279: {  	s1 =	ssub.s32 @!p0 $0x0, s1;
	[sflag:s0] =	ssyncset.done @!p0 $0x0  }
0x27a: {  	[sflag:s0] =	ssyncadd.s32 @!p0 s1  }
0x27b: {  	[bflag:$0x3] =	sbarrier.arrive $0xFFFF  }
0x27c: {  	_ =	shalt  }

</sc_bundles>
